<compile_context>
chip_gen: v7x
topology: tpu7x:2x2x1
jax: 0.10.2.dev20260603
libtpu: 0.0.44.dev20260713+nightly
codegen_flags: <defaults>
</compile_context>

<pallas_src>
import functools

import jax
import jax.numpy as jnp
from jax import lax
from jax.experimental import pallas as pl
from jax.experimental.pallas import tpu as pltpu
from jax.experimental.pallas import tpu_sc as plsc

N_NODES = 10000
N_EDGES = 320000
D = 128

NC = 2
NS = 16
NW = NC * NS
NROW = 10240
CH = 125
HCH = 40
NCH = 2 * HCH
EPW = NCH * CH
RPS = NROW // NS


def _sc_agg_body(edge_hbm, x_hbm, out_hbm,
                 srcv, dstv, rows_a, rows_b, aggsh, sem_a, sem_b):
    cid = lax.axis_index("c")
    sid = lax.axis_index("s")
    wid = cid * NS + sid

    def _zrow(r, carry):
        for c in range(D // 16):
            rows_a[r, pl.ds(c * 16, 16)] = jnp.zeros((16,), jnp.float32)
        return carry
    lax.fori_loop(0, 80, _zrow, 0)
    for z in range(RPS // 80):
        pltpu.sync_copy(rows_a.at[pl.ds(0, 80)],
                        aggsh.at[pl.ds(sid * RPS + z * 80, 80)])

    plsc.subcore_barrier()

    for h in range(2):
        pltpu.sync_copy(edge_hbm.at[0, wid, h], srcv)
        pltpu.sync_copy(edge_hbm.at[1, wid, h], dstv)

        pltpu.async_copy(x_hbm.at[srcv.at[0]], rows_a, sem_a)

        def _pair(p, carry):
            i = 2 * p
            pltpu.async_copy(x_hbm.at[srcv.at[i + 1]], rows_b, sem_b)
            pltpu.make_async_copy(
                x_hbm.at[srcv.at[i]], rows_a, sem_a).wait()
            pltpu.sync_copy(rows_a, aggsh.at[dstv.at[i]], add=True)
            pltpu.async_copy(x_hbm.at[srcv.at[i + 2]], rows_a, sem_a)
            pltpu.make_async_copy(
                x_hbm.at[srcv.at[i + 1]], rows_b, sem_b).wait()
            pltpu.sync_copy(rows_b, aggsh.at[dstv.at[i + 1]], add=True)
            return carry

        lax.fori_loop(0, HCH // 2 - 1, _pair, 0)
        pltpu.async_copy(x_hbm.at[srcv.at[HCH - 1]], rows_b, sem_b)
        pltpu.make_async_copy(
            x_hbm.at[srcv.at[HCH - 2]], rows_a, sem_a).wait()
        pltpu.sync_copy(rows_a, aggsh.at[dstv.at[HCH - 2]], add=True)
        pltpu.make_async_copy(
            x_hbm.at[srcv.at[HCH - 1]], rows_b, sem_b).wait()
        pltpu.sync_copy(rows_b, aggsh.at[dstv.at[HCH - 1]], add=True)

    plsc.subcore_barrier()
    pltpu.sync_copy(aggsh.at[pl.ds(sid * RPS, RPS)],
                    out_hbm.at[pl.ds(cid * NROW + sid * RPS, RPS)])


_sc_agg = functools.partial(
    pl.kernel,
    out_type=jax.ShapeDtypeStruct((NC * NROW, D), jnp.float32),
    mesh=plsc.VectorSubcoreMesh(core_axis_name="c", subcore_axis_name="s"),
    scratch_types=[
        pltpu.VMEM((HCH, CH), jnp.int32),
        pltpu.VMEM((HCH, CH), jnp.int32),
        pltpu.VMEM((CH, D), jnp.float32),
        pltpu.VMEM((CH, D), jnp.float32),
        pltpu.VMEM_SHARED((NROW, D), jnp.float32),
        pltpu.SemaphoreType.DMA,
        pltpu.SemaphoreType.DMA,
    ],
    name="sc_edge_segment_sum",
)(_sc_agg_body)


def _mlp_body(x_ref, part_ref, w1a_ref, w1b_ref, b1_ref,
              gamma_ref, beta_ref, w2_ref, b2_ref, out_ref):
    agg = part_ref[:N_NODES] + part_ref[NROW:NROW + N_NODES]
    h = jnp.dot(x_ref[...], w1a_ref[...], preferred_element_type=jnp.float32)
    h = h + jnp.dot(agg, w1b_ref[...], preferred_element_type=jnp.float32)
    h = jnp.maximum(h + b1_ref[...], 0.0)
    mean = jnp.mean(h, axis=0, keepdims=True)
    cen = h - mean
    var = jnp.mean(cen * cen, axis=0, keepdims=True)
    hn = cen * (lax.rsqrt(var + 1e-5) * gamma_ref[...]) + beta_ref[...]
    out_ref[...] = (
        jnp.dot(hn, w2_ref[...], preferred_element_type=jnp.float32)
        + b2_ref[...])


def kernel(x, edge_index, W1, b1, gamma, beta, W2, b2):
    edges = edge_index.reshape(2, NW, 2, HCH, CH)
    partials = _sc_agg(edges, x)
    return pl.pallas_call(
        _mlp_body,
        out_shape=jax.ShapeDtypeStruct((N_NODES, D), jnp.float32),
    )(x, partials, W1[:D], W1[D:], b1.reshape(1, D),
      gamma.reshape(1, D), beta.reshape(1, D), W2, b2.reshape(1, D))

# --- scband reference (transcript-rebuilt; emitter-appended) ---
"""Pipeline reference for scband-convolutional-layer-21285857919453 (READ-ONLY COPY).

The authoritative reference and input builder live on the scoring server;
editing this copy changes nothing except your own understanding.
"""

import jax, jax.numpy as jnp
import numpy as np

N_NODES = 10000
N_EDGES = 320000
D_IN = 128
HIDDEN = 128
D_OUT = 128


def setup_inputs(seed: int = 0) -> dict:
    key = jax.random.key(seed)
    ks = jax.random.split(key, 6)
    x = jax.random.normal(ks[0], (N_NODES, D_IN), dtype=jnp.float32)
    edge_index = jax.random.randint(ks[1], (2, N_EDGES), 0, N_NODES, dtype=jnp.int32)
    # lin1: (channels_in * 2) -> hidden_dim (ptens transfer1 doubles channel count via linmaps)
    W1 = jax.random.normal(ks[2], (2 * D_IN, HIDDEN), dtype=jnp.float32) * 0.05
    b1 = jnp.zeros((HIDDEN,), dtype=jnp.float32)
    # batchnorm params
    gamma = jnp.ones((HIDDEN,), dtype=jnp.float32)
    beta = jnp.zeros((HIDDEN,), dtype=jnp.float32)
    # lin2: hidden -> channels_out
    W2 = jax.random.normal(ks[3], (HIDDEN, D_OUT), dtype=jnp.float32) * 0.05
    b2 = jnp.zeros((D_OUT,), dtype=jnp.float32)
    return {"x": x, "edge_index": edge_index, "W1": W1, "b1": b1,
            "gamma": gamma, "beta": beta, "W2": W2, "b2": b2}


def reference(x, edge_index, W1, b1, gamma, beta, W2, b2):
    # transfer1 over 1-hop neighborhoods: gather neighbor features along edges,
    # scatter-add into destination nodes; linmaps produce [self || neighborhood-sum]
    # giving channels_in * 2 features per node (matching lin1 input width).
    src = edge_index[0]
    dst = edge_index[1]
    msgs = jnp.take(x, src, axis=0)                       # gather  [E, D_IN]
    agg = jax.ops.segment_sum(msgs, dst, num_segments=x.shape[0])  # scatter-add [N, D_IN]
    h = jnp.concatenate([x, agg], axis=1)                 # [N, 2*D_IN]
    # lin1 + relu
    h = h @ W1 + b1
    h = jax.nn.relu(h)
    # batchnorm over the node dimension (training-mode batch statistics)
    mean = jnp.mean(h, axis=0)
    var = jnp.var(h, axis=0)
    h = (h - mean) / jnp.sqrt(var + 1e-5) * gamma + beta
    # dropout(prob=0.5): identity in deterministic/eval reference
    # lin2
    out = h @ W2 + b2
    return out

if __name__ == "__main__":
    import jax
    _d = setup_inputs()
    print(jax.jit(kernel)(*tuple(_d.values())))

</pallas_src>

<mosaic_0001>
#map = affine_map<(d0, d1) -> (0, 0, 0, 0, 0)>
#map1 = affine_map<(d0, d1) -> (0, 0)>
module attributes {stable_mosaic.version = 14 : i64} {
  func.func @sc_edge_segment_sum(%arg0: i32, %arg1: i32, %arg2: memref<2x32x2x40x125xi32, #tpu.memory_space<hbm>>, %arg3: memref<10000x128xf32, #tpu.memory_space<hbm>>, %arg4: memref<20480x128xf32, #tpu.memory_space<hbm>>, %arg5: memref<40x125xi32, #tpu.memory_space<vmem>>, %arg6: memref<40x125xi32, #tpu.memory_space<vmem>>, %arg7: memref<125x128xf32, #tpu.memory_space<vmem>>, %arg8: memref<125x128xf32, #tpu.memory_space<vmem>>, %arg9: memref<10240x128xf32, #tpu.memory_space<vmem_shared>>, %arg10: memref<!tpu.dma_semaphore, #tpu.memory_space<semaphore_mem>>, %arg11: memref<!tpu.dma_semaphore, #tpu.memory_space<semaphore_mem>>) attributes {dimension_semantics = [#tpu.dimension_semantics<core_parallel>, #tpu.dimension_semantics<subcore_parallel>], iteration_bounds = array<i64: 2, 16>, scalar_prefetch = 0 : i64, scratch_operands = 7 : i64, tpu.core_type = #tpu.core_type<sc_vector_subcore>, window_params = [{transform_indices = #map}, {transform_indices = #map1}, {transform_indices = #map1}]} {
    %mul3A = arith.constant 16 : i32
    %mul3A_0 = arith.muli %arg0, %mul3A : i32
    %add3A = arith.addi %mul3A_0, %arg1 : i32
    %scan3A = arith.constant 0 : i32
    %scan3A_1 = arith.constant 0 : i32
    %scan3A_2 = arith.constant 80 : i32
    %scan3A_3 = arith.addi %scan3A_1, %scan3A_2 : i32
    %scan3A_4 = arith.constant 1 : i32
    scf.for %scan3A_123 = %scan3A_1 to %scan3A_3 step %scan3A_4  : i32 {
      %broadcast_in_dim3A = arith.constant 0.000000e+00 : f32
      %broadcast_in_dim3A_124 = vector.broadcast %broadcast_in_dim3A : f32 to vector<16xf32>
      %swap3A = arith.index_cast %scan3A_123 : i32 to index
      %swap3A_125 = arith.constant 0 : index
      %swap3A_126 = tpu.vector_load %arg7[%swap3A, %swap3A_125] {strides = array<i32>} : memref<125x128xf32, #tpu.memory_space<vmem>>, vector<1x16xf32>,
      %swap3A_127 = vector.shape_cast %swap3A_126 : vector<1x16xf32> to vector<16xf32>
      %swap3A_128 = vector.shape_cast %broadcast_in_dim3A_124 : vector<16xf32> to vector<1x16xf32>
      tpu.vector_store %arg7[%swap3A, %swap3A_125], %swap3A_128 {strides = array<i32>} : memref<125x128xf32, #tpu.memory_space<vmem>>, vector<1x16xf32>,
      %broadcast_in_dim3A_129 = arith.constant 0.000000e+00 : f32
      %broadcast_in_dim3A_130 = vector.broadcast %broadcast_in_dim3A_129 : f32 to vector<16xf32>
      %swap3A_131 = arith.index_cast %scan3A_123 : i32 to index
      %swap3A_132 = arith.constant 16 : index
      %swap3A_133 = tpu.vector_load %arg7[%swap3A_131, %swap3A_132] {strides = array<i32>} : memref<125x128xf32, #tpu.memory_space<vmem>>, vector<1x16xf32>,
      %swap3A_134 = vector.shape_cast %swap3A_133 : vector<1x16xf32> to vector<16xf32>
      %swap3A_135 = vector.shape_cast %broadcast_in_dim3A_130 : vector<16xf32> to vector<1x16xf32>
      tpu.vector_store %arg7[%swap3A_131, %swap3A_132], %swap3A_135 {strides = array<i32>} : memref<125x128xf32, #tpu.memory_space<vmem>>, vector<1x16xf32>,
      %broadcast_in_dim3A_136 = arith.constant 0.000000e+00 : f32
      %broadcast_in_dim3A_137 = vector.broadcast %broadcast_in_dim3A_136 : f32 to vector<16xf32>
      %swap3A_138 = arith.index_cast %scan3A_123 : i32 to index
      %swap3A_139 = arith.constant 32 : index
      %swap3A_140 = tpu.vector_load %arg7[%swap3A_138, %swap3A_139] {strides = array<i32>} : memref<125x128xf32, #tpu.memory_space<vmem>>, vector<1x16xf32>,
      %swap3A_141 = vector.shape_cast %swap3A_140 : vector<1x16xf32> to vector<16xf32>
      %swap3A_142 = vector.shape_cast %broadcast_in_dim3A_137 : vector<16xf32> to vector<1x16xf32>
      tpu.vector_store %arg7[%swap3A_138, %swap3A_139], %swap3A_142 {strides = array<i32>} : memref<125x128xf32, #tpu.memory_space<vmem>>, vector<1x16xf32>,
      %broadcast_in_dim3A_143 = arith.constant 0.000000e+00 : f32
      %broadcast_in_dim3A_144 = vector.broadcast %broadcast_in_dim3A_143 : f32 to vector<16xf32>
      %swap3A_145 = arith.index_cast %scan3A_123 : i32 to index
      %swap3A_146 = arith.constant 48 : index
      %swap3A_147 = tpu.vector_load %arg7[%swap3A_145, %swap3A_146] {strides = array<i32>} : memref<125x128xf32, #tpu.memory_space<vmem>>, vector<1x16xf32>,
      %swap3A_148 = vector.shape_cast %swap3A_147 : vector<1x16xf32> to vector<16xf32>
      %swap3A_149 = vector.shape_cast %broadcast_in_dim3A_144 : vector<16xf32> to vector<1x16xf32>
      tpu.vector_store %arg7[%swap3A_145, %swap3A_146], %swap3A_149 {strides = array<i32>} : memref<125x128xf32, #tpu.memory_space<vmem>>, vector<1x16xf32>,
      %broadcast_in_dim3A_150 = arith.constant 0.000000e+00 : f32
      %broadcast_in_dim3A_151 = vector.broadcast %broadcast_in_dim3A_150 : f32 to vector<16xf32>
      %swap3A_152 = arith.index_cast %scan3A_123 : i32 to index
      %swap3A_153 = arith.constant 64 : index
      %swap3A_154 = tpu.vector_load %arg7[%swap3A_152, %swap3A_153] {strides = array<i32>} : memref<125x128xf32, #tpu.memory_space<vmem>>, vector<1x16xf32>,
      %swap3A_155 = vector.shape_cast %swap3A_154 : vector<1x16xf32> to vector<16xf32>
      %swap3A_156 = vector.shape_cast %broadcast_in_dim3A_151 : vector<16xf32> to vector<1x16xf32>
      tpu.vector_store %arg7[%swap3A_152, %swap3A_153], %swap3A_156 {strides = array<i32>} : memref<125x128xf32, #tpu.memory_space<vmem>>, vector<1x16xf32>,
      %broadcast_in_dim3A_157 = arith.constant 0.000000e+00 : f32
      %broadcast_in_dim3A_158 = vector.broadcast %broadcast_in_dim3A_157 : f32 to vector<16xf32>
      %swap3A_159 = arith.index_cast %scan3A_123 : i32 to index
      %swap3A_160 = arith.constant 80 : index
      %swap3A_161 = tpu.vector_load %arg7[%swap3A_159, %swap3A_160] {strides = array<i32>} : memref<125x128xf32, #tpu.memory_space<vmem>>, vector<1x16xf32>,
      %swap3A_162 = vector.shape_cast %swap3A_161 : vector<1x16xf32> to vector<16xf32>
      %swap3A_163 = vector.shape_cast %broadcast_in_dim3A_158 : vector<16xf32> to vector<1x16xf32>
      tpu.vector_store %arg7[%swap3A_159, %swap3A_160], %swap3A_163 {strides = array<i32>} : memref<125x128xf32, #tpu.memory_space<vmem>>, vector<1x16xf32>,
      %broadcast_in_dim3A_164 = arith.constant 0.000000e+00 : f32
      %broadcast_in_dim3A_165 = vector.broadcast %broadcast_in_dim3A_164 : f32 to vector<16xf32>
      %swap3A_166 = arith.index_cast %scan3A_123 : i32 to index
      %swap3A_167 = arith.constant 96 : index
      %swap3A_168 = tpu.vector_load %arg7[%swap3A_166, %swap3A_167] {strides = array<i32>} : memref<125x128xf32, #tpu.memory_space<vmem>>, vector<1x16xf32>,
      %swap3A_169 = vector.shape_cast %swap3A_168 : vector<1x16xf32> to vector<16xf32>
      %swap3A_170 = vector.shape_cast %broadcast_in_dim3A_165 : vector<16xf32> to vector<1x16xf32>
      tpu.vector_store %arg7[%swap3A_166, %swap3A_167], %swap3A_170 {strides = array<i32>} : memref<125x128xf32, #tpu.memory_space<vmem>>, vector<1x16xf32>,
      %broadcast_in_dim3A_171 = arith.constant 0.000000e+00 : f32
      %broadcast_in_dim3A_172 = vector.broadcast %broadcast_in_dim3A_171 : f32 to vector<16xf32>
      %swap3A_173 = arith.index_cast %scan3A_123 : i32 to index
      %swap3A_174 = arith.constant 112 : index
      %swap3A_175 = tpu.vector_load %arg7[%swap3A_173, %swap3A_174] {strides = array<i32>} : memref<125x128xf32, #tpu.memory_space<vmem>>, vector<1x16xf32>,
      %swap3A_176 = vector.shape_cast %swap3A_175 : vector<1x16xf32> to vector<16xf32>
      %swap3A_177 = vector.shape_cast %broadcast_in_dim3A_172 : vector<16xf32> to vector<1x16xf32>
      tpu.vector_store %arg7[%swap3A_173, %swap3A_174], %swap3A_177 {strides = array<i32>} : memref<125x128xf32, #tpu.memory_space<vmem>>, vector<1x16xf32>,
    }
    %scan3A_5 = arith.constant 80 : i32
    %mul3A_6 = arith.constant 640 : i32
    %mul3A_7 = arith.muli %arg1, %mul3A_6 : i32
    %add3A_8 = arith.constant 0 : i32
    %add3A_9 = arith.addi %mul3A_7, %add3A_8 : i32
    "tpu.region"() ({
      %run_scoped3A_123 = tpu.sem_alloc : memref<!tpu.dma_semaphore, #tpu.memory_space<semaphore_mem>>
      %dma_start3A_124 = arith.constant 0 : i32
      %dma_start3A_125 = arith.constant 0 : i32
      %dma_start3A_126 = tpu.memref_slice %arg7[%dma_start3A_124, %dma_start3A_125] : memref<125x128xf32, #tpu.memory_space<vmem>> -> memref<80x128xf32, #tpu.memory_space<vmem>>
      %dma_start3A_127 = arith.constant 0 : i32
      %dma_start3A_128 = tpu.memref_slice %arg9[%add3A_9, %dma_start3A_127] : memref<10240x128xf32, #tpu.memory_space<vmem_shared>> -> memref<80x128xf32, #tpu.memory_space<vmem_shared>>
      %dma_start3A_129 = arith.constant 0 : i32
      %dma_start3A_130 = tpu.memref_slice %arg9[%add3A_9, %dma_start3A_129] : memref<10240x128xf32, #tpu.memory_space<vmem_shared>> -> memref<80x128xf32, #tpu.memory_space<vmem_shared>>
      %dma_start3A_131 = arith.constant 0 : i32
      %dma_start3A_132 = arith.constant 0 : i32
      %dma_start3A_133 = tpu.memref_slice %arg7[%dma_start3A_131, %dma_start3A_132] : memref<125x128xf32, #tpu.memory_space<vmem>> -> memref<80x128xf32, #tpu.memory_space<vmem>>
      tpu.enqueue_dma source(%dma_start3A_133 : memref<80x128xf32, #tpu.memory_space<vmem>>) target(%dma_start3A_130 : memref<80x128xf32, #tpu.memory_space<vmem_shared>>) target_semaphore(%run_scoped3A_123 : memref<!tpu.dma_semaphore, #tpu.memory_space<semaphore_mem>>)
      %dma_wait3A_134 = arith.constant 0 : i32
      %dma_wait3A_135 = arith.constant 0 : i32
      %dma_wait3A_136 = tpu.memref_slice %arg7[%dma_wait3A_134, %dma_wait3A_135] : memref<125x128xf32, #tpu.memory_space<vmem>> -> memref<80x128xf32, #tpu.memory_space<vmem>>
      %dma_wait3A_137 = arith.constant 0 : i32
      %dma_wait3A_138 = tpu.memref_slice %arg9[%add3A_9, %dma_wait3A_137] : memref<10240x128xf32, #tpu.memory_space<vmem_shared>> -> memref<80x128xf32, #tpu.memory_space<vmem_shared>>
      %dma_wait3A_139 = arith.constant 0 : i32
      %dma_wait3A_140 = tpu.memref_slice %arg9[%add3A_9, %dma_wait3A_139] : memref<10240x128xf32, #tpu.memory_space<vmem_shared>> -> memref<80x128xf32, #tpu.memory_space<vmem_shared>>
      %dma_wait3A_141 = arith.constant 0 : i32
      %dma_wait3A_142 = arith.constant 0 : i32
      %dma_wait3A_143 = tpu.memref_slice %arg7[%dma_wait3A_141, %dma_wait3A_142] : memref<125x128xf32, #tpu.memory_space<vmem>> -> memref<80x128xf32, #tpu.memory_space<vmem>>
      tpu.wait_dma2 semaphore(%run_scoped3A_123 : memref<!tpu.dma_semaphore, #tpu.memory_space<semaphore_mem>>) src(%dma_wait3A_143 : memref<80x128xf32, #tpu.memory_space<vmem>>) dst(%dma_wait3A_140 : memref<80x128xf32, #tpu.memory_space<vmem_shared>>)
      tpu.yield
    }) : () -> ()
    %mul3A_10 = arith.constant 640 : i32
    %mul3A_11 = arith.muli %arg1, %mul3A_10 : i32
    %add3A_12 = arith.constant 80 : i32
    %add3A_13 = arith.addi %mul3A_11, %add3A_12 : i32
    "tpu.region"() ({
      %run_scoped3A_123 = tpu.sem_alloc : memref<!tpu.dma_semaphore, #tpu.memory_space<semaphore_mem>>
      %dma_start3A_124 = arith.constant 0 : i32
      %dma_start3A_125 = arith.constant 0 : i32
      %dma_start3A_126 = tpu.memref_slice %arg7[%dma_start3A_124, %dma_start3A_125] : memref<125x128xf32, #tpu.memory_space<vmem>> -> memref<80x128xf32, #tpu.memory_space<vmem>>
      %dma_start3A_127 = arith.constant 0 : i32
      %dma_start3A_128 = tpu.memref_slice %arg9[%add3A_13, %dma_start3A_127] : memref<10240x128xf32, #tpu.memory_space<vmem_shared>> -> memref<80x128xf32, #tpu.memory_space<vmem_shared>>
      %dma_start3A_129 = arith.constant 0 : i32
      %dma_start3A_130 = tpu.memref_slice %arg9[%add3A_13, %dma_start3A_129] : memref<10240x128xf32, #tpu.memory_space<vmem_shared>> -> memref<80x128xf32, #tpu.memory_space<vmem_shared>>
      %dma_start3A_131 = arith.constant 0 : i32
      %dma_start3A_132 = arith.constant 0 : i32
      %dma_start3A_133 = tpu.memref_slice %arg7[%dma_start3A_131, %dma_start3A_132] : memref<125x128xf32, #tpu.memory_space<vmem>> -> memref<80x128xf32, #tpu.memory_space<vmem>>
      tpu.enqueue_dma source(%dma_start3A_133 : memref<80x128xf32, #tpu.memory_space<vmem>>) target(%dma_start3A_130 : memref<80x128xf32, #tpu.memory_space<vmem_shared>>) target_semaphore(%run_scoped3A_123 : memref<!tpu.dma_semaphore, #tpu.memory_space<semaphore_mem>>)
      %dma_wait3A_134 = arith.constant 0 : i32
      %dma_wait3A_135 = arith.constant 0 : i32
      %dma_wait3A_136 = tpu.memref_slice %arg7[%dma_wait3A_134, %dma_wait3A_135] : memref<125x128xf32, #tpu.memory_space<vmem>> -> memref<80x128xf32, #tpu.memory_space<vmem>>
      %dma_wait3A_137 = arith.constant 0 : i32
      %dma_wait3A_138 = tpu.memref_slice %arg9[%add3A_13, %dma_wait3A_137] : memref<10240x128xf32, #tpu.memory_space<vmem_shared>> -> memref<80x128xf32, #tpu.memory_space<vmem_shared>>
      %dma_wait3A_139 = arith.constant 0 : i32
      %dma_wait3A_140 = tpu.memref_slice %arg9[%add3A_13, %dma_wait3A_139] : memref<10240x128xf32, #tpu.memory_space<vmem_shared>> -> memref<80x128xf32, #tpu.memory_space<vmem_shared>>
      %dma_wait3A_141 = arith.constant 0 : i32
      %dma_wait3A_142 = arith.constant 0 : i32
      %dma_wait3A_143 = tpu.memref_slice %arg7[%dma_wait3A_141, %dma_wait3A_142] : memref<125x128xf32, #tpu.memory_space<vmem>> -> memref<80x128xf32, #tpu.memory_space<vmem>>
      tpu.wait_dma2 semaphore(%run_scoped3A_123 : memref<!tpu.dma_semaphore, #tpu.memory_space<semaphore_mem>>) src(%dma_wait3A_143 : memref<80x128xf32, #tpu.memory_space<vmem>>) dst(%dma_wait3A_140 : memref<80x128xf32, #tpu.memory_space<vmem_shared>>)
      tpu.yield
    }) : () -> ()
    %mul3A_14 = arith.constant 640 : i32
    %mul3A_15 = arith.muli %arg1, %mul3A_14 : i32
    %add3A_16 = arith.constant 160 : i32
    %add3A_17 = arith.addi %mul3A_15, %add3A_16 : i32
    "tpu.region"() ({
      %run_scoped3A_123 = tpu.sem_alloc : memref<!tpu.dma_semaphore, #tpu.memory_space<semaphore_mem>>
      %dma_start3A_124 = arith.constant 0 : i32
      %dma_start3A_125 = arith.constant 0 : i32
      %dma_start3A_126 = tpu.memref_slice %arg7[%dma_start3A_124, %dma_start3A_125] : memref<125x128xf32, #tpu.memory_space<vmem>> -> memref<80x128xf32, #tpu.memory_space<vmem>>
      %dma_start3A_127 = arith.constant 0 : i32
      %dma_start3A_128 = tpu.memref_slice %arg9[%add3A_17, %dma_start3A_127] : memref<10240x128xf32, #tpu.memory_space<vmem_shared>> -> memref<80x128xf32, #tpu.memory_space<vmem_shared>>
      %dma_start3A_129 = arith.constant 0 : i32
      %dma_start3A_130 = tpu.memref_slice %arg9[%add3A_17, %dma_start3A_129] : memref<10240x128xf32, #tpu.memory_space<vmem_shared>> -> memref<80x128xf32, #tpu.memory_space<vmem_shared>>
      %dma_start3A_131 = arith.constant 0 : i32
      %dma_start3A_132 = arith.constant 0 : i32
      %dma_start3A_133 = tpu.memref_slice %arg7[%dma_start3A_131, %dma_start3A_132] : memref<125x128xf32, #tpu.memory_space<vmem>> -> memref<80x128xf32, #tpu.memory_space<vmem>>
      tpu.enqueue_dma source(%dma_start3A_133 : memref<80x128xf32, #tpu.memory_space<vmem>>) target(%dma_start3A_130 : memref<80x128xf32, #tpu.memory_space<vmem_shared>>) target_semaphore(%run_scoped3A_123 : memref<!tpu.dma_semaphore, #tpu.memory_space<semaphore_mem>>)
      %dma_wait3A_134 = arith.constant 0 : i32
      %dma_wait3A_135 = arith.constant 0 : i32
      %dma_wait3A_136 = tpu.memref_slice %arg7[%dma_wait3A_134, %dma_wait3A_135] : memref<125x128xf32, #tpu.memory_space<vmem>> -> memref<80x128xf32, #tpu.memory_space<vmem>>
      %dma_wait3A_137 = arith.constant 0 : i32
      %dma_wait3A_138 = tpu.memref_slice %arg9[%add3A_17, %dma_wait3A_137] : memref<10240x128xf32, #tpu.memory_space<vmem_shared>> -> memref<80x128xf32, #tpu.memory_space<vmem_shared>>
      %dma_wait3A_139 = arith.constant 0 : i32
      %dma_wait3A_140 = tpu.memref_slice %arg9[%add3A_17, %dma_wait3A_139] : memref<10240x128xf32, #tpu.memory_space<vmem_shared>> -> memref<80x128xf32, #tpu.memory_space<vmem_shared>>
      %dma_wait3A_141 = arith.constant 0 : i32
      %dma_wait3A_142 = arith.constant 0 : i32
      %dma_wait3A_143 = tpu.memref_slice %arg7[%dma_wait3A_141, %dma_wait3A_142] : memref<125x128xf32, #tpu.memory_space<vmem>> -> memref<80x128xf32, #tpu.memory_space<vmem>>
      tpu.wait_dma2 semaphore(%run_scoped3A_123 : memref<!tpu.dma_semaphore, #tpu.memory_space<semaphore_mem>>) src(%dma_wait3A_143 : memref<80x128xf32, #tpu.memory_space<vmem>>) dst(%dma_wait3A_140 : memref<80x128xf32, #tpu.memory_space<vmem_shared>>)
      tpu.yield
    }) : () -> ()
    %mul3A_18 = arith.constant 640 : i32
    %mul3A_19 = arith.muli %arg1, %mul3A_18 : i32
    %add3A_20 = arith.constant 240 : i32
    %add3A_21 = arith.addi %mul3A_19, %add3A_20 : i32
    "tpu.region"() ({
      %run_scoped3A_123 = tpu.sem_alloc : memref<!tpu.dma_semaphore, #tpu.memory_space<semaphore_mem>>
      %dma_start3A_124 = arith.constant 0 : i32
      %dma_start3A_125 = arith.constant 0 : i32
      %dma_start3A_126 = tpu.memref_slice %arg7[%dma_start3A_124, %dma_start3A_125] : memref<125x128xf32, #tpu.memory_space<vmem>> -> memref<80x128xf32, #tpu.memory_space<vmem>>
      %dma_start3A_127 = arith.constant 0 : i32
      %dma_start3A_128 = tpu.memref_slice %arg9[%add3A_21, %dma_start3A_127] : memref<10240x128xf32, #tpu.memory_space<vmem_shared>> -> memref<80x128xf32, #tpu.memory_space<vmem_shared>>
      %dma_start3A_129 = arith.constant 0 : i32
      %dma_start3A_130 = tpu.memref_slice %arg9[%add3A_21, %dma_start3A_129] : memref<10240x128xf32, #tpu.memory_space<vmem_shared>> -> memref<80x128xf32, #tpu.memory_space<vmem_shared>>
      %dma_start3A_131 = arith.constant 0 : i32
      %dma_start3A_132 = arith.constant 0 : i32
      %dma_start3A_133 = tpu.memref_slice %arg7[%dma_start3A_131, %dma_start3A_132] : memref<125x128xf32, #tpu.memory_space<vmem>> -> memref<80x128xf32, #tpu.memory_space<vmem>>
      tpu.enqueue_dma source(%dma_start3A_133 : memref<80x128xf32, #tpu.memory_space<vmem>>) target(%dma_start3A_130 : memref<80x128xf32, #tpu.memory_space<vmem_shared>>) target_semaphore(%run_scoped3A_123 : memref<!tpu.dma_semaphore, #tpu.memory_space<semaphore_mem>>)
      %dma_wait3A_134 = arith.constant 0 : i32
      %dma_wait3A_135 = arith.constant 0 : i32
      %dma_wait3A_136 = tpu.memref_slice %arg7[%dma_wait3A_134, %dma_wait3A_135] : memref<125x128xf32, #tpu.memory_space<vmem>> -> memref<80x128xf32, #tpu.memory_space<vmem>>
      %dma_wait3A_137 = arith.constant 0 : i32
      %dma_wait3A_138 = tpu.memref_slice %arg9[%add3A_21, %dma_wait3A_137] : memref<10240x128xf32, #tpu.memory_space<vmem_shared>> -> memref<80x128xf32, #tpu.memory_space<vmem_shared>>
      %dma_wait3A_139 = arith.constant 0 : i32
      %dma_wait3A_140 = tpu.memref_slice %arg9[%add3A_21, %dma_wait3A_139] : memref<10240x128xf32, #tpu.memory_space<vmem_shared>> -> memref<80x128xf32, #tpu.memory_space<vmem_shared>>
      %dma_wait3A_141 = arith.constant 0 : i32
      %dma_wait3A_142 = arith.constant 0 : i32
      %dma_wait3A_143 = tpu.memref_slice %arg7[%dma_wait3A_141, %dma_wait3A_142] : memref<125x128xf32, #tpu.memory_space<vmem>> -> memref<80x128xf32, #tpu.memory_space<vmem>>
      tpu.wait_dma2 semaphore(%run_scoped3A_123 : memref<!tpu.dma_semaphore, #tpu.memory_space<semaphore_mem>>) src(%dma_wait3A_143 : memref<80x128xf32, #tpu.memory_space<vmem>>) dst(%dma_wait3A_140 : memref<80x128xf32, #tpu.memory_space<vmem_shared>>)
      tpu.yield
    }) : () -> ()
    %mul3A_22 = arith.constant 640 : i32
    %mul3A_23 = arith.muli %arg1, %mul3A_22 : i32
    %add3A_24 = arith.constant 320 : i32
    %add3A_25 = arith.addi %mul3A_23, %add3A_24 : i32
    "tpu.region"() ({
      %run_scoped3A_123 = tpu.sem_alloc : memref<!tpu.dma_semaphore, #tpu.memory_space<semaphore_mem>>
      %dma_start3A_124 = arith.constant 0 : i32
      %dma_start3A_125 = arith.constant 0 : i32
      %dma_start3A_126 = tpu.memref_slice %arg7[%dma_start3A_124, %dma_start3A_125] : memref<125x128xf32, #tpu.memory_space<vmem>> -> memref<80x128xf32, #tpu.memory_space<vmem>>
      %dma_start3A_127 = arith.constant 0 : i32
      %dma_start3A_128 = tpu.memref_slice %arg9[%add3A_25, %dma_start3A_127] : memref<10240x128xf32, #tpu.memory_space<vmem_shared>> -> memref<80x128xf32, #tpu.memory_space<vmem_shared>>
      %dma_start3A_129 = arith.constant 0 : i32
      %dma_start3A_130 = tpu.memref_slice %arg9[%add3A_25, %dma_start3A_129] : memref<10240x128xf32, #tpu.memory_space<vmem_shared>> -> memref<80x128xf32, #tpu.memory_space<vmem_shared>>
      %dma_start3A_131 = arith.constant 0 : i32
      %dma_start3A_132 = arith.constant 0 : i32
      %dma_start3A_133 = tpu.memref_slice %arg7[%dma_start3A_131, %dma_start3A_132] : memref<125x128xf32, #tpu.memory_space<vmem>> -> memref<80x128xf32, #tpu.memory_space<vmem>>
      tpu.enqueue_dma source(%dma_start3A_133 : memref<80x128xf32, #tpu.memory_space<vmem>>) target(%dma_start3A_130 : memref<80x128xf32, #tpu.memory_space<vmem_shared>>) target_semaphore(%run_scoped3A_123 : memref<!tpu.dma_semaphore, #tpu.memory_space<semaphore_mem>>)
      %dma_wait3A_134 = arith.constant 0 : i32
      %dma_wait3A_135 = arith.constant 0 : i32
      %dma_wait3A_136 = tpu.memref_slice %arg7[%dma_wait3A_134, %dma_wait3A_135] : memref<125x128xf32, #tpu.memory_space<vmem>> -> memref<80x128xf32, #tpu.memory_space<vmem>>
      %dma_wait3A_137 = arith.constant 0 : i32
      %dma_wait3A_138 = tpu.memref_slice %arg9[%add3A_25, %dma_wait3A_137] : memref<10240x128xf32, #tpu.memory_space<vmem_shared>> -> memref<80x128xf32, #tpu.memory_space<vmem_shared>>
      %dma_wait3A_139 = arith.constant 0 : i32
      %dma_wait3A_140 = tpu.memref_slice %arg9[%add3A_25, %dma_wait3A_139] : memref<10240x128xf32, #tpu.memory_space<vmem_shared>> -> memref<80x128xf32, #tpu.memory_space<vmem_shared>>
      %dma_wait3A_141 = arith.constant 0 : i32
      %dma_wait3A_142 = arith.constant 0 : i32
      %dma_wait3A_143 = tpu.memref_slice %arg7[%dma_wait3A_141, %dma_wait3A_142] : memref<125x128xf32, #tpu.memory_space<vmem>> -> memref<80x128xf32, #tpu.memory_space<vmem>>
      tpu.wait_dma2 semaphore(%run_scoped3A_123 : memref<!tpu.dma_semaphore, #tpu.memory_space<semaphore_mem>>) src(%dma_wait3A_143 : memref<80x128xf32, #tpu.memory_space<vmem>>) dst(%dma_wait3A_140 : memref<80x128xf32, #tpu.memory_space<vmem_shared>>)
      tpu.yield
    }) : () -> ()
    %mul3A_26 = arith.constant 640 : i32
    %mul3A_27 = arith.muli %arg1, %mul3A_26 : i32
    %add3A_28 = arith.constant 400 : i32
    %add3A_29 = arith.addi %mul3A_27, %add3A_28 : i32
    "tpu.region"() ({
      %run_scoped3A_123 = tpu.sem_alloc : memref<!tpu.dma_semaphore, #tpu.memory_space<semaphore_mem>>
      %dma_start3A_124 = arith.constant 0 : i32
      %dma_start3A_125 = arith.constant 0 : i32
      %dma_start3A_126 = tpu.memref_slice %arg7[%dma_start3A_124, %dma_start3A_125] : memref<125x128xf32, #tpu.memory_space<vmem>> -> memref<80x128xf32, #tpu.memory_space<vmem>>
      %dma_start3A_127 = arith.constant 0 : i32
      %dma_start3A_128 = tpu.memref_slice %arg9[%add3A_29, %dma_start3A_127] : memref<10240x128xf32, #tpu.memory_space<vmem_shared>> -> memref<80x128xf32, #tpu.memory_space<vmem_shared>>
      %dma_start3A_129 = arith.constant 0 : i32
      %dma_start3A_130 = tpu.memref_slice %arg9[%add3A_29, %dma_start3A_129] : memref<10240x128xf32, #tpu.memory_space<vmem_shared>> -> memref<80x128xf32, #tpu.memory_space<vmem_shared>>
      %dma_start3A_131 = arith.constant 0 : i32
      %dma_start3A_132 = arith.constant 0 : i32
      %dma_start3A_133 = tpu.memref_slice %arg7[%dma_start3A_131, %dma_start3A_132] : memref<125x128xf32, #tpu.memory_space<vmem>> -> memref<80x128xf32, #tpu.memory_space<vmem>>
      tpu.enqueue_dma source(%dma_start3A_133 : memref<80x128xf32, #tpu.memory_space<vmem>>) target(%dma_start3A_130 : memref<80x128xf32, #tpu.memory_space<vmem_shared>>) target_semaphore(%run_scoped3A_123 : memref<!tpu.dma_semaphore, #tpu.memory_space<semaphore_mem>>)
      %dma_wait3A_134 = arith.constant 0 : i32
      %dma_wait3A_135 = arith.constant 0 : i32
      %dma_wait3A_136 = tpu.memref_slice %arg7[%dma_wait3A_134, %dma_wait3A_135] : memref<125x128xf32, #tpu.memory_space<vmem>> -> memref<80x128xf32, #tpu.memory_space<vmem>>
      %dma_wait3A_137 = arith.constant 0 : i32
      %dma_wait3A_138 = tpu.memref_slice %arg9[%add3A_29, %dma_wait3A_137] : memref<10240x128xf32, #tpu.memory_space<vmem_shared>> -> memref<80x128xf32, #tpu.memory_space<vmem_shared>>
      %dma_wait3A_139 = arith.constant 0 : i32
      %dma_wait3A_140 = tpu.memref_slice %arg9[%add3A_29, %dma_wait3A_139] : memref<10240x128xf32, #tpu.memory_space<vmem_shared>> -> memref<80x128xf32, #tpu.memory_space<vmem_shared>>
      %dma_wait3A_141 = arith.constant 0 : i32
      %dma_wait3A_142 = arith.constant 0 : i32
      %dma_wait3A_143 = tpu.memref_slice %arg7[%dma_wait3A_141, %dma_wait3A_142] : memref<125x128xf32, #tpu.memory_space<vmem>> -> memref<80x128xf32, #tpu.memory_space<vmem>>
      tpu.wait_dma2 semaphore(%run_scoped3A_123 : memref<!tpu.dma_semaphore, #tpu.memory_space<semaphore_mem>>) src(%dma_wait3A_143 : memref<80x128xf32, #tpu.memory_space<vmem>>) dst(%dma_wait3A_140 : memref<80x128xf32, #tpu.memory_space<vmem_shared>>)
      tpu.yield
    }) : () -> ()
    %mul3A_30 = arith.constant 640 : i32
    %mul3A_31 = arith.muli %arg1, %mul3A_30 : i32
    %add3A_32 = arith.constant 480 : i32
    %add3A_33 = arith.addi %mul3A_31, %add3A_32 : i32
    "tpu.region"() ({
      %run_scoped3A_123 = tpu.sem_alloc : memref<!tpu.dma_semaphore, #tpu.memory_space<semaphore_mem>>
      %dma_start3A_124 = arith.constant 0 : i32
      %dma_start3A_125 = arith.constant 0 : i32
      %dma_start3A_126 = tpu.memref_slice %arg7[%dma_start3A_124, %dma_start3A_125] : memref<125x128xf32, #tpu.memory_space<vmem>> -> memref<80x128xf32, #tpu.memory_space<vmem>>
      %dma_start3A_127 = arith.constant 0 : i32
      %dma_start3A_128 = tpu.memref_slice %arg9[%add3A_33, %dma_start3A_127] : memref<10240x128xf32, #tpu.memory_space<vmem_shared>> -> memref<80x128xf32, #tpu.memory_space<vmem_shared>>
      %dma_start3A_129 = arith.constant 0 : i32
      %dma_start3A_130 = tpu.memref_slice %arg9[%add3A_33, %dma_start3A_129] : memref<10240x128xf32, #tpu.memory_space<vmem_shared>> -> memref<80x128xf32, #tpu.memory_space<vmem_shared>>
      %dma_start3A_131 = arith.constant 0 : i32
      %dma_start3A_132 = arith.constant 0 : i32
      %dma_start3A_133 = tpu.memref_slice %arg7[%dma_start3A_131, %dma_start3A_132] : memref<125x128xf32, #tpu.memory_space<vmem>> -> memref<80x128xf32, #tpu.memory_space<vmem>>
      tpu.enqueue_dma source(%dma_start3A_133 : memref<80x128xf32, #tpu.memory_space<vmem>>) target(%dma_start3A_130 : memref<80x128xf32, #tpu.memory_space<vmem_shared>>) target_semaphore(%run_scoped3A_123 : memref<!tpu.dma_semaphore, #tpu.memory_space<semaphore_mem>>)
      %dma_wait3A_134 = arith.constant 0 : i32
      %dma_wait3A_135 = arith.constant 0 : i32
      %dma_wait3A_136 = tpu.memref_slice %arg7[%dma_wait3A_134, %dma_wait3A_135] : memref<125x128xf32, #tpu.memory_space<vmem>> -> memref<80x128xf32, #tpu.memory_space<vmem>>
      %dma_wait3A_137 = arith.constant 0 : i32
      %dma_wait3A_138 = tpu.memref_slice %arg9[%add3A_33, %dma_wait3A_137] : memref<10240x128xf32, #tpu.memory_space<vmem_shared>> -> memref<80x128xf32, #tpu.memory_space<vmem_shared>>
      %dma_wait3A_139 = arith.constant 0 : i32
      %dma_wait3A_140 = tpu.memref_slice %arg9[%add3A_33, %dma_wait3A_139] : memref<10240x128xf32, #tpu.memory_space<vmem_shared>> -> memref<80x128xf32, #tpu.memory_space<vmem_shared>>
      %dma_wait3A_141 = arith.constant 0 : i32
      %dma_wait3A_142 = arith.constant 0 : i32
      %dma_wait3A_143 = tpu.memref_slice %arg7[%dma_wait3A_141, %dma_wait3A_142] : memref<125x128xf32, #tpu.memory_space<vmem>> -> memref<80x128xf32, #tpu.memory_space<vmem>>
      tpu.wait_dma2 semaphore(%run_scoped3A_123 : memref<!tpu.dma_semaphore, #tpu.memory_space<semaphore_mem>>) src(%dma_wait3A_143 : memref<80x128xf32, #tpu.memory_space<vmem>>) dst(%dma_wait3A_140 : memref<80x128xf32, #tpu.memory_space<vmem_shared>>)
      tpu.yield
    }) : () -> ()
    %mul3A_34 = arith.constant 640 : i32
    %mul3A_35 = arith.muli %arg1, %mul3A_34 : i32
    %add3A_36 = arith.constant 560 : i32
    %add3A_37 = arith.addi %mul3A_35, %add3A_36 : i32
    "tpu.region"() ({
      %run_scoped3A_123 = tpu.sem_alloc : memref<!tpu.dma_semaphore, #tpu.memory_space<semaphore_mem>>
      %dma_start3A_124 = arith.constant 0 : i32
      %dma_start3A_125 = arith.constant 0 : i32
      %dma_start3A_126 = tpu.memref_slice %arg7[%dma_start3A_124, %dma_start3A_125] : memref<125x128xf32, #tpu.memory_space<vmem>> -> memref<80x128xf32, #tpu.memory_space<vmem>>
      %dma_start3A_127 = arith.constant 0 : i32
      %dma_start3A_128 = tpu.memref_slice %arg9[%add3A_37, %dma_start3A_127] : memref<10240x128xf32, #tpu.memory_space<vmem_shared>> -> memref<80x128xf32, #tpu.memory_space<vmem_shared>>
      %dma_start3A_129 = arith.constant 0 : i32
      %dma_start3A_130 = tpu.memref_slice %arg9[%add3A_37, %dma_start3A_129] : memref<10240x128xf32, #tpu.memory_space<vmem_shared>> -> memref<80x128xf32, #tpu.memory_space<vmem_shared>>
      %dma_start3A_131 = arith.constant 0 : i32
      %dma_start3A_132 = arith.constant 0 : i32
      %dma_start3A_133 = tpu.memref_slice %arg7[%dma_start3A_131, %dma_start3A_132] : memref<125x128xf32, #tpu.memory_space<vmem>> -> memref<80x128xf32, #tpu.memory_space<vmem>>
      tpu.enqueue_dma source(%dma_start3A_133 : memref<80x128xf32, #tpu.memory_space<vmem>>) target(%dma_start3A_130 : memref<80x128xf32, #tpu.memory_space<vmem_shared>>) target_semaphore(%run_scoped3A_123 : memref<!tpu.dma_semaphore, #tpu.memory_space<semaphore_mem>>)
      %dma_wait3A_134 = arith.constant 0 : i32
      %dma_wait3A_135 = arith.constant 0 : i32
      %dma_wait3A_136 = tpu.memref_slice %arg7[%dma_wait3A_134, %dma_wait3A_135] : memref<125x128xf32, #tpu.memory_space<vmem>> -> memref<80x128xf32, #tpu.memory_space<vmem>>
      %dma_wait3A_137 = arith.constant 0 : i32
      %dma_wait3A_138 = tpu.memref_slice %arg9[%add3A_37, %dma_wait3A_137] : memref<10240x128xf32, #tpu.memory_space<vmem_shared>> -> memref<80x128xf32, #tpu.memory_space<vmem_shared>>
      %dma_wait3A_139 = arith.constant 0 : i32
      %dma_wait3A_140 = tpu.memref_slice %arg9[%add3A_37, %dma_wait3A_139] : memref<10240x128xf32, #tpu.memory_space<vmem_shared>> -> memref<80x128xf32, #tpu.memory_space<vmem_shared>>
      %dma_wait3A_141 = arith.constant 0 : i32
      %dma_wait3A_142 = arith.constant 0 : i32
      %dma_wait3A_143 = tpu.memref_slice %arg7[%dma_wait3A_141, %dma_wait3A_142] : memref<125x128xf32, #tpu.memory_space<vmem>> -> memref<80x128xf32, #tpu.memory_space<vmem>>
      tpu.wait_dma2 semaphore(%run_scoped3A_123 : memref<!tpu.dma_semaphore, #tpu.memory_space<semaphore_mem>>) src(%dma_wait3A_143 : memref<80x128xf32, #tpu.memory_space<vmem>>) dst(%dma_wait3A_140 : memref<80x128xf32, #tpu.memory_space<vmem_shared>>)
      tpu.yield
    }) : () -> ()
    %barrier3A = arith.constant 0 : index
    tpu.barrier barrier_id(%barrier3A)
    %run_scoped3A = arith.constant 0 : i32
    %run_scoped3A_38 = arith.constant 0 : i32
    "tpu.region"() ({
      %run_scoped3A_123 = tpu.sem_alloc : memref<!tpu.dma_semaphore, #tpu.memory_space<semaphore_mem>>
      %dma_start3A_124 = arith.constant 0 : i32
      %dma_start3A_125 = arith.constant 0 : i32
      %dma_start3A_126 = tpu.memref_slice %arg2[%run_scoped3A, %add3A, %run_scoped3A_38, %dma_start3A_124, %dma_start3A_125] : memref<2x32x2x40x125xi32, #tpu.memory_space<hbm>> -> memref<1x1x1x40x125xi32, #tpu.memory_space<hbm>>
      %dma_start3A_127 = tpu.memref_squeeze %dma_start3A_126 : memref<1x1x1x40x125xi32, #tpu.memory_space<hbm>> -> memref<40x125xi32, #tpu.memory_space<hbm>>
      %dma_start3A_128 = arith.constant 0 : i32
      %dma_start3A_129 = arith.constant 0 : i32
      %dma_start3A_130 = tpu.memref_slice %arg2[%run_scoped3A, %add3A, %run_scoped3A_38, %dma_start3A_128, %dma_start3A_129] : memref<2x32x2x40x125xi32, #tpu.memory_space<hbm>> -> memref<1x1x1x40x125xi32, #tpu.memory_space<hbm>>
      %dma_start3A_131 = tpu.memref_squeeze %dma_start3A_130 : memref<1x1x1x40x125xi32, #tpu.memory_space<hbm>> -> memref<40x125xi32, #tpu.memory_space<hbm>>
      tpu.enqueue_dma source(%dma_start3A_131 : memref<40x125xi32, #tpu.memory_space<hbm>>) target(%arg5 : memref<40x125xi32, #tpu.memory_space<vmem>>) target_semaphore(%run_scoped3A_123 : memref<!tpu.dma_semaphore, #tpu.memory_space<semaphore_mem>>)
      %dma_wait3A_132 = arith.constant 0 : i32
      %dma_wait3A_133 = arith.constant 0 : i32
      %dma_wait3A_134 = tpu.memref_slice %arg2[%run_scoped3A, %add3A, %run_scoped3A_38, %dma_wait3A_132, %dma_wait3A_133] : memref<2x32x2x40x125xi32, #tpu.memory_space<hbm>> -> memref<1x1x1x40x125xi32, #tpu.memory_space<hbm>>
      %dma_wait3A_135 = tpu.memref_squeeze %dma_wait3A_134 : memref<1x1x1x40x125xi32, #tpu.memory_space<hbm>> -> memref<40x125xi32, #tpu.memory_space<hbm>>
      %dma_wait3A_136 = arith.constant 0 : i32
      %dma_wait3A_137 = arith.constant 0 : i32
      %dma_wait3A_138 = tpu.memref_slice %arg2[%run_scoped3A, %add3A, %run_scoped3A_38, %dma_wait3A_136, %dma_wait3A_137] : memref<2x32x2x40x125xi32, #tpu.memory_space<hbm>> -> memref<1x1x1x40x125xi32, #tpu.memory_space<hbm>>
      %dma_wait3A_139 = tpu.memref_squeeze %dma_wait3A_138 : memref<1x1x1x40x125xi32, #tpu.memory_space<hbm>> -> memref<40x125xi32, #tpu.memory_space<hbm>>
      tpu.wait_dma2 semaphore(%run_scoped3A_123 : memref<!tpu.dma_semaphore, #tpu.memory_space<semaphore_mem>>) src(%dma_wait3A_139 : memref<40x125xi32, #tpu.memory_space<hbm>>) dst(%arg5 : memref<40x125xi32, #tpu.memory_space<vmem>>)
      tpu.yield
    }) : () -> ()
    %run_scoped3A_39 = arith.constant 1 : i32
    %run_scoped3A_40 = arith.constant 0 : i32
    "tpu.region"() ({
      %run_scoped3A_123 = tpu.sem_alloc : memref<!tpu.dma_semaphore, #tpu.memory_space<semaphore_mem>>
      %dma_start3A_124 = arith.constant 0 : i32
      %dma_start3A_125 = arith.constant 0 : i32
      %dma_start3A_126 = tpu.memref_slice %arg2[%run_scoped3A_39, %add3A, %run_scoped3A_40, %dma_start3A_124, %dma_start3A_125] : memref<2x32x2x40x125xi32, #tpu.memory_space<hbm>> -> memref<1x1x1x40x125xi32, #tpu.memory_space<hbm>>
      %dma_start3A_127 = tpu.memref_squeeze %dma_start3A_126 : memref<1x1x1x40x125xi32, #tpu.memory_space<hbm>> -> memref<40x125xi32, #tpu.memory_space<hbm>>
      %dma_start3A_128 = arith.constant 0 : i32
      %dma_start3A_129 = arith.constant 0 : i32
      %dma_start3A_130 = tpu.memref_slice %arg2[%run_scoped3A_39, %add3A, %run_scoped3A_40, %dma_start3A_128, %dma_start3A_129] : memref<2x32x2x40x125xi32, #tpu.memory_space<hbm>> -> memref<1x1x1x40x125xi32, #tpu.memory_space<hbm>>
      %dma_start3A_131 = tpu.memref_squeeze %dma_start3A_130 : memref<1x1x1x40x125xi32, #tpu.memory_space<hbm>> -> memref<40x125xi32, #tpu.memory_space<hbm>>
      tpu.enqueue_dma source(%dma_start3A_131 : memref<40x125xi32, #tpu.memory_space<hbm>>) target(%arg6 : memref<40x125xi32, #tpu.memory_space<vmem>>) target_semaphore(%run_scoped3A_123 : memref<!tpu.dma_semaphore, #tpu.memory_space<semaphore_mem>>)
      %dma_wait3A_132 = arith.constant 0 : i32
      %dma_wait3A_133 = arith.constant 0 : i32
      %dma_wait3A_134 = tpu.memref_slice %arg2[%run_scoped3A_39, %add3A, %run_scoped3A_40, %dma_wait3A_132, %dma_wait3A_133] : memref<2x32x2x40x125xi32, #tpu.memory_space<hbm>> -> memref<1x1x1x40x125xi32, #tpu.memory_space<hbm>>
      %dma_wait3A_135 = tpu.memref_squeeze %dma_wait3A_134 : memref<1x1x1x40x125xi32, #tpu.memory_space<hbm>> -> memref<40x125xi32, #tpu.memory_space<hbm>>
      %dma_wait3A_136 = arith.constant 0 : i32
      %dma_wait3A_137 = arith.constant 0 : i32
      %dma_wait3A_138 = tpu.memref_slice %arg2[%run_scoped3A_39, %add3A, %run_scoped3A_40, %dma_wait3A_136, %dma_wait3A_137] : memref<2x32x2x40x125xi32, #tpu.memory_space<hbm>> -> memref<1x1x1x40x125xi32, #tpu.memory_space<hbm>>
      %dma_wait3A_139 = tpu.memref_squeeze %dma_wait3A_138 : memref<1x1x1x40x125xi32, #tpu.memory_space<hbm>> -> memref<40x125xi32, #tpu.memory_space<hbm>>
      tpu.wait_dma2 semaphore(%run_scoped3A_123 : memref<!tpu.dma_semaphore, #tpu.memory_space<semaphore_mem>>) src(%dma_wait3A_139 : memref<40x125xi32, #tpu.memory_space<hbm>>) dst(%arg6 : memref<40x125xi32, #tpu.memory_space<vmem>>)
      tpu.yield
    }) : () -> ()
    %dma_start3A = arith.constant 0 : i32
    %dma_start3A_41 = arith.constant 0 : i32
    %dma_start3A_42 = tpu.memref_slice %arg5[%dma_start3A, %dma_start3A_41] : memref<40x125xi32, #tpu.memory_space<vmem>> -> memref<1x125xi32, #tpu.memory_space<vmem>>
    %dma_start3A_43 = tpu.memref_squeeze %dma_start3A_42 : memref<1x125xi32, #tpu.memory_space<vmem>> -> memref<125xi32, #tpu.memory_space<vmem>>
    %dma_start3A_44 = arith.constant 0 : i32
    %dma_start3A_45 = arith.constant 0 : i32
    %dma_start3A_46 = tpu.memref_slice %arg3[%dma_start3A_44, %dma_start3A_45] : memref<10000x128xf32, #tpu.memory_space<hbm>> -> memref<10000x128xf32, #tpu.memory_space<hbm>>
    tpu.enqueue_indirect_dma source(%dma_start3A_46 : memref<10000x128xf32, #tpu.memory_space<hbm>>) target(%arg7 : memref<125x128xf32, #tpu.memory_space<vmem>>) offsets(%dma_start3A_43 : memref<125xi32, #tpu.memory_space<vmem>>) semaphore(%arg10 : memref<!tpu.dma_semaphore, #tpu.memory_space<semaphore_mem>>)
    %scan3A_47 = arith.constant 0 : i32
    %scan3A_48 = arith.constant 0 : i32
    %scan3A_49 = arith.constant 19 : i32
    %scan3A_50 = arith.addi %scan3A_48, %scan3A_49 : i32
    %scan3A_51 = arith.constant 1 : i32
    scf.for %scan3A_123 = %scan3A_48 to %scan3A_50 step %scan3A_51  : i32 {
      %mul3A_124 = arith.constant 2 : i32
      %mul3A_125 = arith.muli %mul3A_124, %scan3A_123 : i32
      %add3A_126 = arith.constant 1 : i32
      %add3A_127 = arith.addi %mul3A_125, %add3A_126 : i32
      %dma_start3A_128 = arith.constant 0 : i32
      %dma_start3A_129 = tpu.memref_slice %arg5[%add3A_127, %dma_start3A_128] : memref<40x125xi32, #tpu.memory_space<vmem>> -> memref<1x125xi32, #tpu.memory_space<vmem>>
      %dma_start3A_130 = tpu.memref_squeeze %dma_start3A_129 : memref<1x125xi32, #tpu.memory_space<vmem>> -> memref<125xi32, #tpu.memory_space<vmem>>
      %dma_start3A_131 = arith.constant 0 : i32
      %dma_start3A_132 = arith.constant 0 : i32
      %dma_start3A_133 = tpu.memref_slice %arg3[%dma_start3A_131, %dma_start3A_132] : memref<10000x128xf32, #tpu.memory_space<hbm>> -> memref<10000x128xf32, #tpu.memory_space<hbm>>
      tpu.enqueue_indirect_dma source(%dma_start3A_133 : memref<10000x128xf32, #tpu.memory_space<hbm>>) target(%arg8 : memref<125x128xf32, #tpu.memory_space<vmem>>) offsets(%dma_start3A_130 : memref<125xi32, #tpu.memory_space<vmem>>) semaphore(%arg11 : memref<!tpu.dma_semaphore, #tpu.memory_space<semaphore_mem>>)
      %dma_wait3A_134 = arith.constant 0 : i32
      %dma_wait3A_135 = tpu.memref_slice %arg5[%mul3A_125, %dma_wait3A_134] : memref<40x125xi32, #tpu.memory_space<vmem>> -> memref<1x125xi32, #tpu.memory_space<vmem>>
      %dma_wait3A_136 = tpu.memref_squeeze %dma_wait3A_135 : memref<1x125xi32, #tpu.memory_space<vmem>> -> memref<125xi32, #tpu.memory_space<vmem>>
      %dma_wait3A_137 = arith.constant 0 : i32
      %dma_wait3A_138 = arith.constant 0 : i32
      %dma_wait3A_139 = tpu.memref_slice %arg3[%dma_wait3A_137, %dma_wait3A_138] : memref<10000x128xf32, #tpu.memory_space<hbm>> -> memref<10000x128xf32, #tpu.memory_space<hbm>>
      tpu.wait_indirect_dma semaphore(%arg10 : memref<!tpu.dma_semaphore, #tpu.memory_space<semaphore_mem>>) src(%dma_wait3A_139 : memref<10000x128xf32, #tpu.memory_space<hbm>>) dst(%arg7 : memref<125x128xf32, #tpu.memory_space<vmem>>)
      "tpu.region"() ({
        %run_scoped3A_158 = tpu.sem_alloc : memref<!tpu.dma_semaphore, #tpu.memory_space<semaphore_mem>>
        %dma_start3A_159 = arith.constant 0 : i32
        %dma_start3A_160 = tpu.memref_slice %arg6[%mul3A_125, %dma_start3A_159] : memref<40x125xi32, #tpu.memory_space<vmem>> -> memref<1x125xi32, #tpu.memory_space<vmem>>
        %dma_start3A_161 = tpu.memref_squeeze %dma_start3A_160 : memref<1x125xi32, #tpu.memory_space<vmem>> -> memref<125xi32, #tpu.memory_space<vmem>>
        %dma_start3A_162 = arith.constant 0 : i32
        %dma_start3A_163 = arith.constant 0 : i32
        %dma_start3A_164 = tpu.memref_slice %arg9[%dma_start3A_162, %dma_start3A_163] : memref<10240x128xf32, #tpu.memory_space<vmem_shared>> -> memref<10240x128xf32, #tpu.memory_space<vmem_shared>>
        tpu.enqueue_indirect_dma source(%arg7 : memref<125x128xf32, #tpu.memory_space<vmem>>) target(%dma_start3A_164 : memref<10240x128xf32, #tpu.memory_space<vmem_shared>>) offsets(%dma_start3A_161 : memref<125xi32, #tpu.memory_space<vmem>>) semaphore(%run_scoped3A_158 : memref<!tpu.dma_semaphore, #tpu.memory_space<semaphore_mem>>) {add = true}
        %dma_wait3A_165 = arith.constant 0 : i32
        %dma_wait3A_166 = tpu.memref_slice %arg6[%mul3A_125, %dma_wait3A_165] : memref<40x125xi32, #tpu.memory_space<vmem>> -> memref<1x125xi32, #tpu.memory_space<vmem>>
        %dma_wait3A_167 = tpu.memref_squeeze %dma_wait3A_166 : memref<1x125xi32, #tpu.memory_space<vmem>> -> memref<125xi32, #tpu.memory_space<vmem>>
        %dma_wait3A_168 = arith.constant 0 : i32
        %dma_wait3A_169 = arith.constant 0 : i32
        %dma_wait3A_170 = tpu.memref_slice %arg9[%dma_wait3A_168, %dma_wait3A_169] : memref<10240x128xf32, #tpu.memory_space<vmem_shared>> -> memref<10240x128xf32, #tpu.memory_space<vmem_shared>>
        tpu.wait_indirect_dma semaphore(%run_scoped3A_158 : memref<!tpu.dma_semaphore, #tpu.memory_space<semaphore_mem>>) src(%arg7 : memref<125x128xf32, #tpu.memory_space<vmem>>) dst(%dma_wait3A_170 : memref<10240x128xf32, #tpu.memory_space<vmem_shared>>)
        tpu.yield
      }) : () -> ()
      %add3A_140 = arith.constant 2 : i32
      %add3A_141 = arith.addi %mul3A_125, %add3A_140 : i32
      %dma_start3A_142 = arith.constant 0 : i32
      %dma_start3A_143 = tpu.memref_slice %arg5[%add3A_141, %dma_start3A_142] : memref<40x125xi32, #tpu.memory_space<vmem>> -> memref<1x125xi32, #tpu.memory_space<vmem>>
      %dma_start3A_144 = tpu.memref_squeeze %dma_start3A_143 : memref<1x125xi32, #tpu.memory_space<vmem>> -> memref<125xi32, #tpu.memory_space<vmem>>
      %dma_start3A_145 = arith.constant 0 : i32
      %dma_start3A_146 = arith.constant 0 : i32
      %dma_start3A_147 = tpu.memref_slice %arg3[%dma_start3A_145, %dma_start3A_146] : memref<10000x128xf32, #tpu.memory_space<hbm>> -> memref<10000x128xf32, #tpu.memory_space<hbm>>
      tpu.enqueue_indirect_dma source(%dma_start3A_147 : memref<10000x128xf32, #tpu.memory_space<hbm>>) target(%arg7 : memref<125x128xf32, #tpu.memory_space<vmem>>) offsets(%dma_start3A_144 : memref<125xi32, #tpu.memory_space<vmem>>) semaphore(%arg10 : memref<!tpu.dma_semaphore, #tpu.memory_space<semaphore_mem>>)
      %add3A_148 = arith.constant 1 : i32
      %add3A_149 = arith.addi %mul3A_125, %add3A_148 : i32
      %dma_wait3A_150 = arith.constant 0 : i32
      %dma_wait3A_151 = tpu.memref_slice %arg5[%add3A_149, %dma_wait3A_150] : memref<40x125xi32, #tpu.memory_space<vmem>> -> memref<1x125xi32, #tpu.memory_space<vmem>>
      %dma_wait3A_152 = tpu.memref_squeeze %dma_wait3A_151 : memref<1x125xi32, #tpu.memory_space<vmem>> -> memref<125xi32, #tpu.memory_space<vmem>>
      %dma_wait3A_153 = arith.constant 0 : i32
      %dma_wait3A_154 = arith.constant 0 : i32
      %dma_wait3A_155 = tpu.memref_slice %arg3[%dma_wait3A_153, %dma_wait3A_154] : memref<10000x128xf32, #tpu.memory_space<hbm>> -> memref<10000x128xf32, #tpu.memory_space<hbm>>
      tpu.wait_indirect_dma semaphore(%arg11 : memref<!tpu.dma_semaphore, #tpu.memory_space<semaphore_mem>>) src(%dma_wait3A_155 : memref<10000x128xf32, #tpu.memory_space<hbm>>) dst(%arg8 : memref<125x128xf32, #tpu.memory_space<vmem>>)
      %add3A_156 = arith.constant 1 : i32
      %add3A_157 = arith.addi %mul3A_125, %add3A_156 : i32
      "tpu.region"() ({
        %run_scoped3A_158 = tpu.sem_alloc : memref<!tpu.dma_semaphore, #tpu.memory_space<semaphore_mem>>
        %dma_start3A_159 = arith.constant 0 : i32
        %dma_start3A_160 = tpu.memref_slice %arg6[%add3A_157, %dma_start3A_159] : memref<40x125xi32, #tpu.memory_space<vmem>> -> memref<1x125xi32, #tpu.memory_space<vmem>>
        %dma_start3A_161 = tpu.memref_squeeze %dma_start3A_160 : memref<1x125xi32, #tpu.memory_space<vmem>> -> memref<125xi32, #tpu.memory_space<vmem>>
        %dma_start3A_162 = arith.constant 0 : i32
        %dma_start3A_163 = arith.constant 0 : i32
        %dma_start3A_164 = tpu.memref_slice %arg9[%dma_start3A_162, %dma_start3A_163] : memref<10240x128xf32, #tpu.memory_space<vmem_shared>> -> memref<10240x128xf32, #tpu.memory_space<vmem_shared>>
        tpu.enqueue_indirect_dma source(%arg8 : memref<125x128xf32, #tpu.memory_space<vmem>>) target(%dma_start3A_164 : memref<10240x128xf32, #tpu.memory_space<vmem_shared>>) offsets(%dma_start3A_161 : memref<125xi32, #tpu.memory_space<vmem>>) semaphore(%run_scoped3A_158 : memref<!tpu.dma_semaphore, #tpu.memory_space<semaphore_mem>>) {add = true}
        %dma_wait3A_165 = arith.constant 0 : i32
        %dma_wait3A_166 = tpu.memref_slice %arg6[%add3A_157, %dma_wait3A_165] : memref<40x125xi32, #tpu.memory_space<vmem>> -> memref<1x125xi32, #tpu.memory_space<vmem>>
        %dma_wait3A_167 = tpu.memref_squeeze %dma_wait3A_166 : memref<1x125xi32, #tpu.memory_space<vmem>> -> memref<125xi32, #tpu.memory_space<vmem>>
        %dma_wait3A_168 = arith.constant 0 : i32
        %dma_wait3A_169 = arith.constant 0 : i32
        %dma_wait3A_170 = tpu.memref_slice %arg9[%dma_wait3A_168, %dma_wait3A_169] : memref<10240x128xf32, #tpu.memory_space<vmem_shared>> -> memref<10240x128xf32, #tpu.memory_space<vmem_shared>>
        tpu.wait_indirect_dma semaphore(%run_scoped3A_158 : memref<!tpu.dma_semaphore, #tpu.memory_space<semaphore_mem>>) src(%arg8 : memref<125x128xf32, #tpu.memory_space<vmem>>) dst(%dma_wait3A_170 : memref<10240x128xf32, #tpu.memory_space<vmem_shared>>)
        tpu.yield
      }) : () -> ()
    }
    %scan3A_52 = arith.constant 19 : i32
    %dma_start3A_53 = arith.constant 39 : i32
    %dma_start3A_54 = arith.constant 0 : i32
    %dma_start3A_55 = tpu.memref_slice %arg5[%dma_start3A_53, %dma_start3A_54] : memref<40x125xi32, #tpu.memory_space<vmem>> -> memref<1x125xi32, #tpu.memory_space<vmem>>
    %dma_start3A_56 = tpu.memref_squeeze %dma_start3A_55 : memref<1x125xi32, #tpu.memory_space<vmem>> -> memref<125xi32, #tpu.memory_space<vmem>>
    %dma_start3A_57 = arith.constant 0 : i32
    %dma_start3A_58 = arith.constant 0 : i32
    %dma_start3A_59 = tpu.memref_slice %arg3[%dma_start3A_57, %dma_start3A_58] : memref<10000x128xf32, #tpu.memory_space<hbm>> -> memref<10000x128xf32, #tpu.memory_space<hbm>>
    tpu.enqueue_indirect_dma source(%dma_start3A_59 : memref<10000x128xf32, #tpu.memory_space<hbm>>) target(%arg8 : memref<125x128xf32, #tpu.memory_space<vmem>>) offsets(%dma_start3A_56 : memref<125xi32, #tpu.memory_space<vmem>>) semaphore(%arg11 : memref<!tpu.dma_semaphore, #tpu.memory_space<semaphore_mem>>)
    %dma_wait3A = arith.constant 38 : i32
    %dma_wait3A_60 = arith.constant 0 : i32
    %dma_wait3A_61 = tpu.memref_slice %arg5[%dma_wait3A, %dma_wait3A_60] : memref<40x125xi32, #tpu.memory_space<vmem>> -> memref<1x125xi32, #tpu.memory_space<vmem>>
    %dma_wait3A_62 = tpu.memref_squeeze %dma_wait3A_61 : memref<1x125xi32, #tpu.memory_space<vmem>> -> memref<125xi32, #tpu.memory_space<vmem>>
    %dma_wait3A_63 = arith.constant 0 : i32
    %dma_wait3A_64 = arith.constant 0 : i32
    %dma_wait3A_65 = tpu.memref_slice %arg3[%dma_wait3A_63, %dma_wait3A_64] : memref<10000x128xf32, #tpu.memory_space<hbm>> -> memref<10000x128xf32, #tpu.memory_space<hbm>>
    tpu.wait_indirect_dma semaphore(%arg10 : memref<!tpu.dma_semaphore, #tpu.memory_space<semaphore_mem>>) src(%dma_wait3A_65 : memref<10000x128xf32, #tpu.memory_space<hbm>>) dst(%arg7 : memref<125x128xf32, #tpu.memory_space<vmem>>)
    %run_scoped3A_66 = arith.constant 38 : i32
    "tpu.region"() ({
      %run_scoped3A_123 = tpu.sem_alloc : memref<!tpu.dma_semaphore, #tpu.memory_space<semaphore_mem>>
      %dma_start3A_124 = arith.constant 0 : i32
      %dma_start3A_125 = tpu.memref_slice %arg6[%run_scoped3A_66, %dma_start3A_124] : memref<40x125xi32, #tpu.memory_space<vmem>> -> memref<1x125xi32, #tpu.memory_space<vmem>>
      %dma_start3A_126 = tpu.memref_squeeze %dma_start3A_125 : memref<1x125xi32, #tpu.memory_space<vmem>> -> memref<125xi32, #tpu.memory_space<vmem>>
      %dma_start3A_127 = arith.constant 0 : i32
      %dma_start3A_128 = arith.constant 0 : i32
      %dma_start3A_129 = tpu.memref_slice %arg9[%dma_start3A_127, %dma_start3A_128] : memref<10240x128xf32, #tpu.memory_space<vmem_shared>> -> memref<10240x128xf32, #tpu.memory_space<vmem_shared>>
      tpu.enqueue_indirect_dma source(%arg7 : memref<125x128xf32, #tpu.memory_space<vmem>>) target(%dma_start3A_129 : memref<10240x128xf32, #tpu.memory_space<vmem_shared>>) offsets(%dma_start3A_126 : memref<125xi32, #tpu.memory_space<vmem>>) semaphore(%run_scoped3A_123 : memref<!tpu.dma_semaphore, #tpu.memory_space<semaphore_mem>>) {add = true}
      %dma_wait3A_130 = arith.constant 0 : i32
      %dma_wait3A_131 = tpu.memref_slice %arg6[%run_scoped3A_66, %dma_wait3A_130] : memref<40x125xi32, #tpu.memory_space<vmem>> -> memref<1x125xi32, #tpu.memory_space<vmem>>
      %dma_wait3A_132 = tpu.memref_squeeze %dma_wait3A_131 : memref<1x125xi32, #tpu.memory_space<vmem>> -> memref<125xi32, #tpu.memory_space<vmem>>
      %dma_wait3A_133 = arith.constant 0 : i32
      %dma_wait3A_134 = arith.constant 0 : i32
      %dma_wait3A_135 = tpu.memref_slice %arg9[%dma_wait3A_133, %dma_wait3A_134] : memref<10240x128xf32, #tpu.memory_space<vmem_shared>> -> memref<10240x128xf32, #tpu.memory_space<vmem_shared>>
      tpu.wait_indirect_dma semaphore(%run_scoped3A_123 : memref<!tpu.dma_semaphore, #tpu.memory_space<semaphore_mem>>) src(%arg7 : memref<125x128xf32, #tpu.memory_space<vmem>>) dst(%dma_wait3A_135 : memref<10240x128xf32, #tpu.memory_space<vmem_shared>>)
      tpu.yield
    }) : () -> ()
    %dma_wait3A_67 = arith.constant 39 : i32
    %dma_wait3A_68 = arith.constant 0 : i32
    %dma_wait3A_69 = tpu.memref_slice %arg5[%dma_wait3A_67, %dma_wait3A_68] : memref<40x125xi32, #tpu.memory_space<vmem>> -> memref<1x125xi32, #tpu.memory_space<vmem>>
    %dma_wait3A_70 = tpu.memref_squeeze %dma_wait3A_69 : memref<1x125xi32, #tpu.memory_space<vmem>> -> memref<125xi32, #tpu.memory_space<vmem>>
    %dma_wait3A_71 = arith.constant 0 : i32
    %dma_wait3A_72 = arith.constant 0 : i32
    %dma_wait3A_73 = tpu.memref_slice %arg3[%dma_wait3A_71, %dma_wait3A_72] : memref<10000x128xf32, #tpu.memory_space<hbm>> -> memref<10000x128xf32, #tpu.memory_space<hbm>>
    tpu.wait_indirect_dma semaphore(%arg11 : memref<!tpu.dma_semaphore, #tpu.memory_space<semaphore_mem>>) src(%dma_wait3A_73 : memref<10000x128xf32, #tpu.memory_space<hbm>>) dst(%arg8 : memref<125x128xf32, #tpu.memory_space<vmem>>)
    %run_scoped3A_74 = arith.constant 39 : i32
    "tpu.region"() ({
      %run_scoped3A_123 = tpu.sem_alloc : memref<!tpu.dma_semaphore, #tpu.memory_space<semaphore_mem>>
      %dma_start3A_124 = arith.constant 0 : i32
      %dma_start3A_125 = tpu.memref_slice %arg6[%run_scoped3A_74, %dma_start3A_124] : memref<40x125xi32, #tpu.memory_space<vmem>> -> memref<1x125xi32, #tpu.memory_space<vmem>>
      %dma_start3A_126 = tpu.memref_squeeze %dma_start3A_125 : memref<1x125xi32, #tpu.memory_space<vmem>> -> memref<125xi32, #tpu.memory_space<vmem>>
      %dma_start3A_127 = arith.constant 0 : i32
      %dma_start3A_128 = arith.constant 0 : i32
      %dma_start3A_129 = tpu.memref_slice %arg9[%dma_start3A_127, %dma_start3A_128] : memref<10240x128xf32, #tpu.memory_space<vmem_shared>> -> memref<10240x128xf32, #tpu.memory_space<vmem_shared>>
      tpu.enqueue_indirect_dma source(%arg8 : memref<125x128xf32, #tpu.memory_space<vmem>>) target(%dma_start3A_129 : memref<10240x128xf32, #tpu.memory_space<vmem_shared>>) offsets(%dma_start3A_126 : memref<125xi32, #tpu.memory_space<vmem>>) semaphore(%run_scoped3A_123 : memref<!tpu.dma_semaphore, #tpu.memory_space<semaphore_mem>>) {add = true}
      %dma_wait3A_130 = arith.constant 0 : i32
      %dma_wait3A_131 = tpu.memref_slice %arg6[%run_scoped3A_74, %dma_wait3A_130] : memref<40x125xi32, #tpu.memory_space<vmem>> -> memref<1x125xi32, #tpu.memory_space<vmem>>
      %dma_wait3A_132 = tpu.memref_squeeze %dma_wait3A_131 : memref<1x125xi32, #tpu.memory_space<vmem>> -> memref<125xi32, #tpu.memory_space<vmem>>
      %dma_wait3A_133 = arith.constant 0 : i32
      %dma_wait3A_134 = arith.constant 0 : i32
      %dma_wait3A_135 = tpu.memref_slice %arg9[%dma_wait3A_133, %dma_wait3A_134] : memref<10240x128xf32, #tpu.memory_space<vmem_shared>> -> memref<10240x128xf32, #tpu.memory_space<vmem_shared>>
      tpu.wait_indirect_dma semaphore(%run_scoped3A_123 : memref<!tpu.dma_semaphore, #tpu.memory_space<semaphore_mem>>) src(%arg8 : memref<125x128xf32, #tpu.memory_space<vmem>>) dst(%dma_wait3A_135 : memref<10240x128xf32, #tpu.memory_space<vmem_shared>>)
      tpu.yield
    }) : () -> ()
    %run_scoped3A_75 = arith.constant 0 : i32
    %run_scoped3A_76 = arith.constant 1 : i32
    "tpu.region"() ({
      %run_scoped3A_123 = tpu.sem_alloc : memref<!tpu.dma_semaphore, #tpu.memory_space<semaphore_mem>>
      %dma_start3A_124 = arith.constant 0 : i32
      %dma_start3A_125 = arith.constant 0 : i32
      %dma_start3A_126 = tpu.memref_slice %arg2[%run_scoped3A_75, %add3A, %run_scoped3A_76, %dma_start3A_124, %dma_start3A_125] : memref<2x32x2x40x125xi32, #tpu.memory_space<hbm>> -> memref<1x1x1x40x125xi32, #tpu.memory_space<hbm>>
      %dma_start3A_127 = tpu.memref_squeeze %dma_start3A_126 : memref<1x1x1x40x125xi32, #tpu.memory_space<hbm>> -> memref<40x125xi32, #tpu.memory_space<hbm>>
      %dma_start3A_128 = arith.constant 0 : i32
      %dma_start3A_129 = arith.constant 0 : i32
      %dma_start3A_130 = tpu.memref_slice %arg2[%run_scoped3A_75, %add3A, %run_scoped3A_76, %dma_start3A_128, %dma_start3A_129] : memref<2x32x2x40x125xi32, #tpu.memory_space<hbm>> -> memref<1x1x1x40x125xi32, #tpu.memory_space<hbm>>
      %dma_start3A_131 = tpu.memref_squeeze %dma_start3A_130 : memref<1x1x1x40x125xi32, #tpu.memory_space<hbm>> -> memref<40x125xi32, #tpu.memory_space<hbm>>
      tpu.enqueue_dma source(%dma_start3A_131 : memref<40x125xi32, #tpu.memory_space<hbm>>) target(%arg5 : memref<40x125xi32, #tpu.memory_space<vmem>>) target_semaphore(%run_scoped3A_123 : memref<!tpu.dma_semaphore, #tpu.memory_space<semaphore_mem>>)
      %dma_wait3A_132 = arith.constant 0 : i32
      %dma_wait3A_133 = arith.constant 0 : i32
      %dma_wait3A_134 = tpu.memref_slice %arg2[%run_scoped3A_75, %add3A, %run_scoped3A_76, %dma_wait3A_132, %dma_wait3A_133] : memref<2x32x2x40x125xi32, #tpu.memory_space<hbm>> -> memref<1x1x1x40x125xi32, #tpu.memory_space<hbm>>
      %dma_wait3A_135 = tpu.memref_squeeze %dma_wait3A_134 : memref<1x1x1x40x125xi32, #tpu.memory_space<hbm>> -> memref<40x125xi32, #tpu.memory_space<hbm>>
      %dma_wait3A_136 = arith.constant 0 : i32
      %dma_wait3A_137 = arith.constant 0 : i32
      %dma_wait3A_138 = tpu.memref_slice %arg2[%run_scoped3A_75, %add3A, %run_scoped3A_76, %dma_wait3A_136, %dma_wait3A_137] : memref<2x32x2x40x125xi32, #tpu.memory_space<hbm>> -> memref<1x1x1x40x125xi32, #tpu.memory_space<hbm>>
      %dma_wait3A_139 = tpu.memref_squeeze %dma_wait3A_138 : memref<1x1x1x40x125xi32, #tpu.memory_space<hbm>> -> memref<40x125xi32, #tpu.memory_space<hbm>>
      tpu.wait_dma2 semaphore(%run_scoped3A_123 : memref<!tpu.dma_semaphore, #tpu.memory_space<semaphore_mem>>) src(%dma_wait3A_139 : memref<40x125xi32, #tpu.memory_space<hbm>>) dst(%arg5 : memref<40x125xi32, #tpu.memory_space<vmem>>)
      tpu.yield
    }) : () -> ()
    %run_scoped3A_77 = arith.constant 1 : i32
    %run_scoped3A_78 = arith.constant 1 : i32
    "tpu.region"() ({
      %run_scoped3A_123 = tpu.sem_alloc : memref<!tpu.dma_semaphore, #tpu.memory_space<semaphore_mem>>
      %dma_start3A_124 = arith.constant 0 : i32
      %dma_start3A_125 = arith.constant 0 : i32
      %dma_start3A_126 = tpu.memref_slice %arg2[%run_scoped3A_77, %add3A, %run_scoped3A_78, %dma_start3A_124, %dma_start3A_125] : memref<2x32x2x40x125xi32, #tpu.memory_space<hbm>> -> memref<1x1x1x40x125xi32, #tpu.memory_space<hbm>>
      %dma_start3A_127 = tpu.memref_squeeze %dma_start3A_126 : memref<1x1x1x40x125xi32, #tpu.memory_space<hbm>> -> memref<40x125xi32, #tpu.memory_space<hbm>>
      %dma_start3A_128 = arith.constant 0 : i32
      %dma_start3A_129 = arith.constant 0 : i32
      %dma_start3A_130 = tpu.memref_slice %arg2[%run_scoped3A_77, %add3A, %run_scoped3A_78, %dma_start3A_128, %dma_start3A_129] : memref<2x32x2x40x125xi32, #tpu.memory_space<hbm>> -> memref<1x1x1x40x125xi32, #tpu.memory_space<hbm>>
      %dma_start3A_131 = tpu.memref_squeeze %dma_start3A_130 : memref<1x1x1x40x125xi32, #tpu.memory_space<hbm>> -> memref<40x125xi32, #tpu.memory_space<hbm>>
      tpu.enqueue_dma source(%dma_start3A_131 : memref<40x125xi32, #tpu.memory_space<hbm>>) target(%arg6 : memref<40x125xi32, #tpu.memory_space<vmem>>) target_semaphore(%run_scoped3A_123 : memref<!tpu.dma_semaphore, #tpu.memory_space<semaphore_mem>>)
      %dma_wait3A_132 = arith.constant 0 : i32
      %dma_wait3A_133 = arith.constant 0 : i32
      %dma_wait3A_134 = tpu.memref_slice %arg2[%run_scoped3A_77, %add3A, %run_scoped3A_78, %dma_wait3A_132, %dma_wait3A_133] : memref<2x32x2x40x125xi32, #tpu.memory_space<hbm>> -> memref<1x1x1x40x125xi32, #tpu.memory_space<hbm>>
      %dma_wait3A_135 = tpu.memref_squeeze %dma_wait3A_134 : memref<1x1x1x40x125xi32, #tpu.memory_space<hbm>> -> memref<40x125xi32, #tpu.memory_space<hbm>>
      %dma_wait3A_136 = arith.constant 0 : i32
      %dma_wait3A_137 = arith.constant 0 : i32
      %dma_wait3A_138 = tpu.memref_slice %arg2[%run_scoped3A_77, %add3A, %run_scoped3A_78, %dma_wait3A_136, %dma_wait3A_137] : memref<2x32x2x40x125xi32, #tpu.memory_space<hbm>> -> memref<1x1x1x40x125xi32, #tpu.memory_space<hbm>>
      %dma_wait3A_139 = tpu.memref_squeeze %dma_wait3A_138 : memref<1x1x1x40x125xi32, #tpu.memory_space<hbm>> -> memref<40x125xi32, #tpu.memory_space<hbm>>
      tpu.wait_dma2 semaphore(%run_scoped3A_123 : memref<!tpu.dma_semaphore, #tpu.memory_space<semaphore_mem>>) src(%dma_wait3A_139 : memref<40x125xi32, #tpu.memory_space<hbm>>) dst(%arg6 : memref<40x125xi32, #tpu.memory_space<vmem>>)
      tpu.yield
    }) : () -> ()
    %dma_start3A_79 = arith.constant 0 : i32
    %dma_start3A_80 = arith.constant 0 : i32
    %dma_start3A_81 = tpu.memref_slice %arg5[%dma_start3A_79, %dma_start3A_80] : memref<40x125xi32, #tpu.memory_space<vmem>> -> memref<1x125xi32, #tpu.memory_space<vmem>>
    %dma_start3A_82 = tpu.memref_squeeze %dma_start3A_81 : memref<1x125xi32, #tpu.memory_space<vmem>> -> memref<125xi32, #tpu.memory_space<vmem>>
    %dma_start3A_83 = arith.constant 0 : i32
    %dma_start3A_84 = arith.constant 0 : i32
    %dma_start3A_85 = tpu.memref_slice %arg3[%dma_start3A_83, %dma_start3A_84] : memref<10000x128xf32, #tpu.memory_space<hbm>> -> memref<10000x128xf32, #tpu.memory_space<hbm>>
    tpu.enqueue_indirect_dma source(%dma_start3A_85 : memref<10000x128xf32, #tpu.memory_space<hbm>>) target(%arg7 : memref<125x128xf32, #tpu.memory_space<vmem>>) offsets(%dma_start3A_82 : memref<125xi32, #tpu.memory_space<vmem>>) semaphore(%arg10 : memref<!tpu.dma_semaphore, #tpu.memory_space<semaphore_mem>>)
    %scan3A_86 = arith.constant 0 : i32
    %scan3A_87 = arith.constant 0 : i32
    %scan3A_88 = arith.constant 19 : i32
    %scan3A_89 = arith.addi %scan3A_87, %scan3A_88 : i32
    %scan3A_90 = arith.constant 1 : i32
    scf.for %scan3A_123 = %scan3A_87 to %scan3A_89 step %scan3A_90  : i32 {
      %mul3A_124 = arith.constant 2 : i32
      %mul3A_125 = arith.muli %mul3A_124, %scan3A_123 : i32
      %add3A_126 = arith.constant 1 : i32
      %add3A_127 = arith.addi %mul3A_125, %add3A_126 : i32
      %dma_start3A_128 = arith.constant 0 : i32
      %dma_start3A_129 = tpu.memref_slice %arg5[%add3A_127, %dma_start3A_128] : memref<40x125xi32, #tpu.memory_space<vmem>> -> memref<1x125xi32, #tpu.memory_space<vmem>>
      %dma_start3A_130 = tpu.memref_squeeze %dma_start3A_129 : memref<1x125xi32, #tpu.memory_space<vmem>> -> memref<125xi32, #tpu.memory_space<vmem>>
      %dma_start3A_131 = arith.constant 0 : i32
      %dma_start3A_132 = arith.constant 0 : i32
      %dma_start3A_133 = tpu.memref_slice %arg3[%dma_start3A_131, %dma_start3A_132] : memref<10000x128xf32, #tpu.memory_space<hbm>> -> memref<10000x128xf32, #tpu.memory_space<hbm>>
      tpu.enqueue_indirect_dma source(%dma_start3A_133 : memref<10000x128xf32, #tpu.memory_space<hbm>>) target(%arg8 : memref<125x128xf32, #tpu.memory_space<vmem>>) offsets(%dma_start3A_130 : memref<125xi32, #tpu.memory_space<vmem>>) semaphore(%arg11 : memref<!tpu.dma_semaphore, #tpu.memory_space<semaphore_mem>>)
      %dma_wait3A_134 = arith.constant 0 : i32
      %dma_wait3A_135 = tpu.memref_slice %arg5[%mul3A_125, %dma_wait3A_134] : memref<40x125xi32, #tpu.memory_space<vmem>> -> memref<1x125xi32, #tpu.memory_space<vmem>>
      %dma_wait3A_136 = tpu.memref_squeeze %dma_wait3A_135 : memref<1x125xi32, #tpu.memory_space<vmem>> -> memref<125xi32, #tpu.memory_space<vmem>>
      %dma_wait3A_137 = arith.constant 0 : i32
      %dma_wait3A_138 = arith.constant 0 : i32
      %dma_wait3A_139 = tpu.memref_slice %arg3[%dma_wait3A_137, %dma_wait3A_138] : memref<10000x128xf32, #tpu.memory_space<hbm>> -> memref<10000x128xf32, #tpu.memory_space<hbm>>
      tpu.wait_indirect_dma semaphore(%arg10 : memref<!tpu.dma_semaphore, #tpu.memory_space<semaphore_mem>>) src(%dma_wait3A_139 : memref<10000x128xf32, #tpu.memory_space<hbm>>) dst(%arg7 : memref<125x128xf32, #tpu.memory_space<vmem>>)
      "tpu.region"() ({
        %run_scoped3A_158 = tpu.sem_alloc : memref<!tpu.dma_semaphore, #tpu.memory_space<semaphore_mem>>
        %dma_start3A_159 = arith.constant 0 : i32
        %dma_start3A_160 = tpu.memref_slice %arg6[%mul3A_125, %dma_start3A_159] : memref<40x125xi32, #tpu.memory_space<vmem>> -> memref<1x125xi32, #tpu.memory_space<vmem>>
        %dma_start3A_161 = tpu.memref_squeeze %dma_start3A_160 : memref<1x125xi32, #tpu.memory_space<vmem>> -> memref<125xi32, #tpu.memory_space<vmem>>
        %dma_start3A_162 = arith.constant 0 : i32
        %dma_start3A_163 = arith.constant 0 : i32
        %dma_start3A_164 = tpu.memref_slice %arg9[%dma_start3A_162, %dma_start3A_163] : memref<10240x128xf32, #tpu.memory_space<vmem_shared>> -> memref<10240x128xf32, #tpu.memory_space<vmem_shared>>
        tpu.enqueue_indirect_dma source(%arg7 : memref<125x128xf32, #tpu.memory_space<vmem>>) target(%dma_start3A_164 : memref<10240x128xf32, #tpu.memory_space<vmem_shared>>) offsets(%dma_start3A_161 : memref<125xi32, #tpu.memory_space<vmem>>) semaphore(%run_scoped3A_158 : memref<!tpu.dma_semaphore, #tpu.memory_space<semaphore_mem>>) {add = true}
        %dma_wait3A_165 = arith.constant 0 : i32
        %dma_wait3A_166 = tpu.memref_slice %arg6[%mul3A_125, %dma_wait3A_165] : memref<40x125xi32, #tpu.memory_space<vmem>> -> memref<1x125xi32, #tpu.memory_space<vmem>>
        %dma_wait3A_167 = tpu.memref_squeeze %dma_wait3A_166 : memref<1x125xi32, #tpu.memory_space<vmem>> -> memref<125xi32, #tpu.memory_space<vmem>>
        %dma_wait3A_168 = arith.constant 0 : i32
        %dma_wait3A_169 = arith.constant 0 : i32
        %dma_wait3A_170 = tpu.memref_slice %arg9[%dma_wait3A_168, %dma_wait3A_169] : memref<10240x128xf32, #tpu.memory_space<vmem_shared>> -> memref<10240x128xf32, #tpu.memory_space<vmem_shared>>
        tpu.wait_indirect_dma semaphore(%run_scoped3A_158 : memref<!tpu.dma_semaphore, #tpu.memory_space<semaphore_mem>>) src(%arg7 : memref<125x128xf32, #tpu.memory_space<vmem>>) dst(%dma_wait3A_170 : memref<10240x128xf32, #tpu.memory_space<vmem_shared>>)
        tpu.yield
      }) : () -> ()
      %add3A_140 = arith.constant 2 : i32
      %add3A_141 = arith.addi %mul3A_125, %add3A_140 : i32
      %dma_start3A_142 = arith.constant 0 : i32
      %dma_start3A_143 = tpu.memref_slice %arg5[%add3A_141, %dma_start3A_142] : memref<40x125xi32, #tpu.memory_space<vmem>> -> memref<1x125xi32, #tpu.memory_space<vmem>>
      %dma_start3A_144 = tpu.memref_squeeze %dma_start3A_143 : memref<1x125xi32, #tpu.memory_space<vmem>> -> memref<125xi32, #tpu.memory_space<vmem>>
      %dma_start3A_145 = arith.constant 0 : i32
      %dma_start3A_146 = arith.constant 0 : i32
      %dma_start3A_147 = tpu.memref_slice %arg3[%dma_start3A_145, %dma_start3A_146] : memref<10000x128xf32, #tpu.memory_space<hbm>> -> memref<10000x128xf32, #tpu.memory_space<hbm>>
      tpu.enqueue_indirect_dma source(%dma_start3A_147 : memref<10000x128xf32, #tpu.memory_space<hbm>>) target(%arg7 : memref<125x128xf32, #tpu.memory_space<vmem>>) offsets(%dma_start3A_144 : memref<125xi32, #tpu.memory_space<vmem>>) semaphore(%arg10 : memref<!tpu.dma_semaphore, #tpu.memory_space<semaphore_mem>>)
      %add3A_148 = arith.constant 1 : i32
      %add3A_149 = arith.addi %mul3A_125, %add3A_148 : i32
      %dma_wait3A_150 = arith.constant 0 : i32
      %dma_wait3A_151 = tpu.memref_slice %arg5[%add3A_149, %dma_wait3A_150] : memref<40x125xi32, #tpu.memory_space<vmem>> -> memref<1x125xi32, #tpu.memory_space<vmem>>
      %dma_wait3A_152 = tpu.memref_squeeze %dma_wait3A_151 : memref<1x125xi32, #tpu.memory_space<vmem>> -> memref<125xi32, #tpu.memory_space<vmem>>
      %dma_wait3A_153 = arith.constant 0 : i32
      %dma_wait3A_154 = arith.constant 0 : i32
      %dma_wait3A_155 = tpu.memref_slice %arg3[%dma_wait3A_153, %dma_wait3A_154] : memref<10000x128xf32, #tpu.memory_space<hbm>> -> memref<10000x128xf32, #tpu.memory_space<hbm>>
      tpu.wait_indirect_dma semaphore(%arg11 : memref<!tpu.dma_semaphore, #tpu.memory_space<semaphore_mem>>) src(%dma_wait3A_155 : memref<10000x128xf32, #tpu.memory_space<hbm>>) dst(%arg8 : memref<125x128xf32, #tpu.memory_space<vmem>>)
      %add3A_156 = arith.constant 1 : i32
      %add3A_157 = arith.addi %mul3A_125, %add3A_156 : i32
      "tpu.region"() ({
        %run_scoped3A_158 = tpu.sem_alloc : memref<!tpu.dma_semaphore, #tpu.memory_space<semaphore_mem>>
        %dma_start3A_159 = arith.constant 0 : i32
        %dma_start3A_160 = tpu.memref_slice %arg6[%add3A_157, %dma_start3A_159] : memref<40x125xi32, #tpu.memory_space<vmem>> -> memref<1x125xi32, #tpu.memory_space<vmem>>
        %dma_start3A_161 = tpu.memref_squeeze %dma_start3A_160 : memref<1x125xi32, #tpu.memory_space<vmem>> -> memref<125xi32, #tpu.memory_space<vmem>>
        %dma_start3A_162 = arith.constant 0 : i32
        %dma_start3A_163 = arith.constant 0 : i32
        %dma_start3A_164 = tpu.memref_slice %arg9[%dma_start3A_162, %dma_start3A_163] : memref<10240x128xf32, #tpu.memory_space<vmem_shared>> -> memref<10240x128xf32, #tpu.memory_space<vmem_shared>>
        tpu.enqueue_indirect_dma source(%arg8 : memref<125x128xf32, #tpu.memory_space<vmem>>) target(%dma_start3A_164 : memref<10240x128xf32, #tpu.memory_space<vmem_shared>>) offsets(%dma_start3A_161 : memref<125xi32, #tpu.memory_space<vmem>>) semaphore(%run_scoped3A_158 : memref<!tpu.dma_semaphore, #tpu.memory_space<semaphore_mem>>) {add = true}
        %dma_wait3A_165 = arith.constant 0 : i32
        %dma_wait3A_166 = tpu.memref_slice %arg6[%add3A_157, %dma_wait3A_165] : memref<40x125xi32, #tpu.memory_space<vmem>> -> memref<1x125xi32, #tpu.memory_space<vmem>>
        %dma_wait3A_167 = tpu.memref_squeeze %dma_wait3A_166 : memref<1x125xi32, #tpu.memory_space<vmem>> -> memref<125xi32, #tpu.memory_space<vmem>>
        %dma_wait3A_168 = arith.constant 0 : i32
        %dma_wait3A_169 = arith.constant 0 : i32
        %dma_wait3A_170 = tpu.memref_slice %arg9[%dma_wait3A_168, %dma_wait3A_169] : memref<10240x128xf32, #tpu.memory_space<vmem_shared>> -> memref<10240x128xf32, #tpu.memory_space<vmem_shared>>
        tpu.wait_indirect_dma semaphore(%run_scoped3A_158 : memref<!tpu.dma_semaphore, #tpu.memory_space<semaphore_mem>>) src(%arg8 : memref<125x128xf32, #tpu.memory_space<vmem>>) dst(%dma_wait3A_170 : memref<10240x128xf32, #tpu.memory_space<vmem_shared>>)
        tpu.yield
      }) : () -> ()
    }
    %scan3A_91 = arith.constant 19 : i32
    %dma_start3A_92 = arith.constant 39 : i32
    %dma_start3A_93 = arith.constant 0 : i32
    %dma_start3A_94 = tpu.memref_slice %arg5[%dma_start3A_92, %dma_start3A_93] : memref<40x125xi32, #tpu.memory_space<vmem>> -> memref<1x125xi32, #tpu.memory_space<vmem>>
    %dma_start3A_95 = tpu.memref_squeeze %dma_start3A_94 : memref<1x125xi32, #tpu.memory_space<vmem>> -> memref<125xi32, #tpu.memory_space<vmem>>
    %dma_start3A_96 = arith.constant 0 : i32
    %dma_start3A_97 = arith.constant 0 : i32
    %dma_start3A_98 = tpu.memref_slice %arg3[%dma_start3A_96, %dma_start3A_97] : memref<10000x128xf32, #tpu.memory_space<hbm>> -> memref<10000x128xf32, #tpu.memory_space<hbm>>
    tpu.enqueue_indirect_dma source(%dma_start3A_98 : memref<10000x128xf32, #tpu.memory_space<hbm>>) target(%arg8 : memref<125x128xf32, #tpu.memory_space<vmem>>) offsets(%dma_start3A_95 : memref<125xi32, #tpu.memory_space<vmem>>) semaphore(%arg11 : memref<!tpu.dma_semaphore, #tpu.memory_space<semaphore_mem>>)
    %dma_wait3A_99 = arith.constant 38 : i32
    %dma_wait3A_100 = arith.constant 0 : i32
    %dma_wait3A_101 = tpu.memref_slice %arg5[%dma_wait3A_99, %dma_wait3A_100] : memref<40x125xi32, #tpu.memory_space<vmem>> -> memref<1x125xi32, #tpu.memory_space<vmem>>
    %dma_wait3A_102 = tpu.memref_squeeze %dma_wait3A_101 : memref<1x125xi32, #tpu.memory_space<vmem>> -> memref<125xi32, #tpu.memory_space<vmem>>
    %dma_wait3A_103 = arith.constant 0 : i32
    %dma_wait3A_104 = arith.constant 0 : i32
    %dma_wait3A_105 = tpu.memref_slice %arg3[%dma_wait3A_103, %dma_wait3A_104] : memref<10000x128xf32, #tpu.memory_space<hbm>> -> memref<10000x128xf32, #tpu.memory_space<hbm>>
    tpu.wait_indirect_dma semaphore(%arg10 : memref<!tpu.dma_semaphore, #tpu.memory_space<semaphore_mem>>) src(%dma_wait3A_105 : memref<10000x128xf32, #tpu.memory_space<hbm>>) dst(%arg7 : memref<125x128xf32, #tpu.memory_space<vmem>>)
    %run_scoped3A_106 = arith.constant 38 : i32
    "tpu.region"() ({
      %run_scoped3A_123 = tpu.sem_alloc : memref<!tpu.dma_semaphore, #tpu.memory_space<semaphore_mem>>
      %dma_start3A_124 = arith.constant 0 : i32
      %dma_start3A_125 = tpu.memref_slice %arg6[%run_scoped3A_106, %dma_start3A_124] : memref<40x125xi32, #tpu.memory_space<vmem>> -> memref<1x125xi32, #tpu.memory_space<vmem>>
      %dma_start3A_126 = tpu.memref_squeeze %dma_start3A_125 : memref<1x125xi32, #tpu.memory_space<vmem>> -> memref<125xi32, #tpu.memory_space<vmem>>
      %dma_start3A_127 = arith.constant 0 : i32
      %dma_start3A_128 = arith.constant 0 : i32
      %dma_start3A_129 = tpu.memref_slice %arg9[%dma_start3A_127, %dma_start3A_128] : memref<10240x128xf32, #tpu.memory_space<vmem_shared>> -> memref<10240x128xf32, #tpu.memory_space<vmem_shared>>
      tpu.enqueue_indirect_dma source(%arg7 : memref<125x128xf32, #tpu.memory_space<vmem>>) target(%dma_start3A_129 : memref<10240x128xf32, #tpu.memory_space<vmem_shared>>) offsets(%dma_start3A_126 : memref<125xi32, #tpu.memory_space<vmem>>) semaphore(%run_scoped3A_123 : memref<!tpu.dma_semaphore, #tpu.memory_space<semaphore_mem>>) {add = true}
      %dma_wait3A_130 = arith.constant 0 : i32
      %dma_wait3A_131 = tpu.memref_slice %arg6[%run_scoped3A_106, %dma_wait3A_130] : memref<40x125xi32, #tpu.memory_space<vmem>> -> memref<1x125xi32, #tpu.memory_space<vmem>>
      %dma_wait3A_132 = tpu.memref_squeeze %dma_wait3A_131 : memref<1x125xi32, #tpu.memory_space<vmem>> -> memref<125xi32, #tpu.memory_space<vmem>>
      %dma_wait3A_133 = arith.constant 0 : i32
      %dma_wait3A_134 = arith.constant 0 : i32
      %dma_wait3A_135 = tpu.memref_slice %arg9[%dma_wait3A_133, %dma_wait3A_134] : memref<10240x128xf32, #tpu.memory_space<vmem_shared>> -> memref<10240x128xf32, #tpu.memory_space<vmem_shared>>
      tpu.wait_indirect_dma semaphore(%run_scoped3A_123 : memref<!tpu.dma_semaphore, #tpu.memory_space<semaphore_mem>>) src(%arg7 : memref<125x128xf32, #tpu.memory_space<vmem>>) dst(%dma_wait3A_135 : memref<10240x128xf32, #tpu.memory_space<vmem_shared>>)
      tpu.yield
    }) : () -> ()
    %dma_wait3A_107 = arith.constant 39 : i32
    %dma_wait3A_108 = arith.constant 0 : i32
    %dma_wait3A_109 = tpu.memref_slice %arg5[%dma_wait3A_107, %dma_wait3A_108] : memref<40x125xi32, #tpu.memory_space<vmem>> -> memref<1x125xi32, #tpu.memory_space<vmem>>
    %dma_wait3A_110 = tpu.memref_squeeze %dma_wait3A_109 : memref<1x125xi32, #tpu.memory_space<vmem>> -> memref<125xi32, #tpu.memory_space<vmem>>
    %dma_wait3A_111 = arith.constant 0 : i32
    %dma_wait3A_112 = arith.constant 0 : i32
    %dma_wait3A_113 = tpu.memref_slice %arg3[%dma_wait3A_111, %dma_wait3A_112] : memref<10000x128xf32, #tpu.memory_space<hbm>> -> memref<10000x128xf32, #tpu.memory_space<hbm>>
    tpu.wait_indirect_dma semaphore(%arg11 : memref<!tpu.dma_semaphore, #tpu.memory_space<semaphore_mem>>) src(%dma_wait3A_113 : memref<10000x128xf32, #tpu.memory_space<hbm>>) dst(%arg8 : memref<125x128xf32, #tpu.memory_space<vmem>>)
    %run_scoped3A_114 = arith.constant 39 : i32
    "tpu.region"() ({
      %run_scoped3A_123 = tpu.sem_alloc : memref<!tpu.dma_semaphore, #tpu.memory_space<semaphore_mem>>
      %dma_start3A_124 = arith.constant 0 : i32
      %dma_start3A_125 = tpu.memref_slice %arg6[%run_scoped3A_114, %dma_start3A_124] : memref<40x125xi32, #tpu.memory_space<vmem>> -> memref<1x125xi32, #tpu.memory_space<vmem>>
      %dma_start3A_126 = tpu.memref_squeeze %dma_start3A_125 : memref<1x125xi32, #tpu.memory_space<vmem>> -> memref<125xi32, #tpu.memory_space<vmem>>
      %dma_start3A_127 = arith.constant 0 : i32
      %dma_start3A_128 = arith.constant 0 : i32
      %dma_start3A_129 = tpu.memref_slice %arg9[%dma_start3A_127, %dma_start3A_128] : memref<10240x128xf32, #tpu.memory_space<vmem_shared>> -> memref<10240x128xf32, #tpu.memory_space<vmem_shared>>
      tpu.enqueue_indirect_dma source(%arg8 : memref<125x128xf32, #tpu.memory_space<vmem>>) target(%dma_start3A_129 : memref<10240x128xf32, #tpu.memory_space<vmem_shared>>) offsets(%dma_start3A_126 : memref<125xi32, #tpu.memory_space<vmem>>) semaphore(%run_scoped3A_123 : memref<!tpu.dma_semaphore, #tpu.memory_space<semaphore_mem>>) {add = true}
      %dma_wait3A_130 = arith.constant 0 : i32
      %dma_wait3A_131 = tpu.memref_slice %arg6[%run_scoped3A_114, %dma_wait3A_130] : memref<40x125xi32, #tpu.memory_space<vmem>> -> memref<1x125xi32, #tpu.memory_space<vmem>>
      %dma_wait3A_132 = tpu.memref_squeeze %dma_wait3A_131 : memref<1x125xi32, #tpu.memory_space<vmem>> -> memref<125xi32, #tpu.memory_space<vmem>>
      %dma_wait3A_133 = arith.constant 0 : i32
      %dma_wait3A_134 = arith.constant 0 : i32
      %dma_wait3A_135 = tpu.memref_slice %arg9[%dma_wait3A_133, %dma_wait3A_134] : memref<10240x128xf32, #tpu.memory_space<vmem_shared>> -> memref<10240x128xf32, #tpu.memory_space<vmem_shared>>
      tpu.wait_indirect_dma semaphore(%run_scoped3A_123 : memref<!tpu.dma_semaphore, #tpu.memory_space<semaphore_mem>>) src(%arg8 : memref<125x128xf32, #tpu.memory_space<vmem>>) dst(%dma_wait3A_135 : memref<10240x128xf32, #tpu.memory_space<vmem_shared>>)
      tpu.yield
    }) : () -> ()
    %barrier3A_115 = arith.constant 0 : index
    tpu.barrier barrier_id(%barrier3A_115)
    %mul3A_116 = arith.constant 640 : i32
    %mul3A_117 = arith.muli %arg1, %mul3A_116 : i32
    %mul3A_118 = arith.constant 10240 : i32
    %mul3A_119 = arith.muli %arg0, %mul3A_118 : i32
    %mul3A_120 = arith.constant 640 : i32
    %mul3A_121 = arith.muli %arg1, %mul3A_120 : i32
    %add3A_122 = arith.addi %mul3A_119, %mul3A_121 : i32
    "tpu.region"() ({
      %run_scoped3A_123 = tpu.sem_alloc : memref<!tpu.dma_semaphore, #tpu.memory_space<semaphore_mem>>
      %dma_start3A_124 = arith.constant 0 : i32
      %dma_start3A_125 = tpu.memref_slice %arg4[%add3A_122, %dma_start3A_124] : memref<20480x128xf32, #tpu.memory_space<hbm>> -> memref<640x128xf32, #tpu.memory_space<hbm>>
      %dma_start3A_126 = arith.constant 0 : i32
      %dma_start3A_127 = tpu.memref_slice %arg9[%mul3A_117, %dma_start3A_126] : memref<10240x128xf32, #tpu.memory_space<vmem_shared>> -> memref<640x128xf32, #tpu.memory_space<vmem_shared>>
      tpu.enqueue_dma source(%dma_start3A_127 : memref<640x128xf32, #tpu.memory_space<vmem_shared>>) target(%dma_start3A_125 : memref<640x128xf32, #tpu.memory_space<hbm>>) target_semaphore(%run_scoped3A_123 : memref<!tpu.dma_semaphore, #tpu.memory_space<semaphore_mem>>)
      %dma_wait3A_128 = arith.constant 0 : i32
      %dma_wait3A_129 = tpu.memref_slice %arg4[%add3A_122, %dma_wait3A_128] : memref<20480x128xf32, #tpu.memory_space<hbm>> -> memref<640x128xf32, #tpu.memory_space<hbm>>
      %dma_wait3A_130 = arith.constant 0 : i32
      %dma_wait3A_131 = tpu.memref_slice %arg9[%mul3A_117, %dma_wait3A_130] : memref<10240x128xf32, #tpu.memory_space<vmem_shared>> -> memref<640x128xf32, #tpu.memory_space<vmem_shared>>
      tpu.wait_dma2 semaphore(%run_scoped3A_123 : memref<!tpu.dma_semaphore, #tpu.memory_space<semaphore_mem>>) src(%dma_wait3A_131 : memref<640x128xf32, #tpu.memory_space<vmem_shared>>) dst(%dma_wait3A_129 : memref<640x128xf32, #tpu.memory_space<hbm>>)
      tpu.yield
    }) : () -> ()
    return
  }
}

module attributes {stable_mosaic.version = 14 : i64} {
  func.func @_mlp_body(%arg0: memref<10000x128xf32, #tpu.memory_space<vmem>>, %arg1: memref<20480x128xf32, #tpu.memory_space<vmem>>, %arg2: memref<128x128xf32, #tpu.memory_space<vmem>>, %arg3: memref<128x128xf32, #tpu.memory_space<vmem>>, %arg4: memref<1x128xf32, #tpu.memory_space<vmem>>, %arg5: memref<1x128xf32, #tpu.memory_space<vmem>>, %arg6: memref<1x128xf32, #tpu.memory_space<vmem>>, %arg7: memref<128x128xf32, #tpu.memory_space<vmem>>, %arg8: memref<1x128xf32, #tpu.memory_space<vmem>>, %arg9: memref<10000x128xf32, #tpu.memory_space<vmem>>) attributes {dimension_semantics = [], scalar_prefetch = 0 : i64, scratch_operands = 0 : i64, tpu.core_type = #tpu.core_type<tc>} {
    %get3A = arith.constant 0 : index
    %get3A_0 = arith.constant 0 : index
    %get3A_1 = vector.load %arg1[%get3A, %get3A_0] : memref<20480x128xf32, #tpu.memory_space<vmem>>, vector<10000x128xf32>
    %get3A_2 = arith.constant 10240 : index
    %get3A_3 = arith.constant 0 : index
    %get3A_4 = vector.load %arg1[%get3A_2, %get3A_3] : memref<20480x128xf32, #tpu.memory_space<vmem>>, vector<10000x128xf32>
    %add3A = arith.addf %get3A_1, %get3A_4 : vector<10000x128xf32>
    %get3A_5 = arith.constant 0 : index
    %get3A_6 = arith.constant 0 : index
    %get3A_7 = vector.load %arg0[%get3A_5, %get3A_6] : memref<10000x128xf32, #tpu.memory_space<vmem>>, vector<10000x128xf32>
    %get3A_8 = arith.constant 0 : index
    %get3A_9 = arith.constant 0 : index
    %get3A_10 = vector.load %arg2[%get3A_8, %get3A_9] : memref<128x128xf32, #tpu.memory_space<vmem>>, vector<128x128xf32>
    %dot_general3A = arith.constant dense<0.000000e+00> : vector<10000x128xf32>
    %dot_general3A_11 = tpu.matmul %get3A_7, %get3A_10, %dot_general3A {dimension_numbers = #tpu.dot_dimension_numbers<[1], [0], [0], [1], [0, 0, 1, 1], [], []>, transpose_lhs_hint = false} : vector<10000x128xf32>, vector<128x128xf32>, vector<10000x128xf32> -> vector<10000x128xf32>
    %get3A_12 = arith.constant 0 : index
    %get3A_13 = arith.constant 0 : index
    %get3A_14 = vector.load %arg3[%get3A_12, %get3A_13] : memref<128x128xf32, #tpu.memory_space<vmem>>, vector<128x128xf32>
    %dot_general3A_15 = arith.constant dense<0.000000e+00> : vector<10000x128xf32>
    %dot_general3A_16 = tpu.matmul %add3A, %get3A_14, %dot_general3A_15 {dimension_numbers = #tpu.dot_dimension_numbers<[1], [0], [0], [1], [0, 0, 1, 1], [], []>, transpose_lhs_hint = false} : vector<10000x128xf32>, vector<128x128xf32>, vector<10000x128xf32> -> vector<10000x128xf32>
    %add3A_17 = arith.addf %dot_general3A_11, %dot_general3A_16 : vector<10000x128xf32>
    %get3A_18 = arith.constant 0 : index
    %get3A_19 = arith.constant 0 : index
    %get3A_20 = vector.load %arg4[%get3A_18, %get3A_19] : memref<1x128xf32, #tpu.memory_space<vmem>>, vector<1x128xf32>
    %add3A_21 = vector.broadcast %get3A_20 : vector<1x128xf32> to vector<10000x128xf32>
    %add3A_22 = arith.addf %add3A_17, %add3A_21 : vector<10000x128xf32>
    %max3A = arith.constant 0.000000e+00 : f32
    %max3A_23 = vector.broadcast %max3A : f32 to vector<10000x128xf32>
    %max3A_24 = arith.maximumf %add3A_22, %max3A_23 : vector<10000x128xf32>
    %reduce_sum3A = arith.constant dense<0.000000e+00> : vector<128xf32>
    %reduce_sum3A_25 = vector.multi_reduction <add>, %max3A_24, %reduce_sum3A [0] : vector<10000x128xf32> to vector<128xf32>
    %broadcast_in_dim3A = vector.shape_cast %reduce_sum3A_25 : vector<128xf32> to vector<1x128xf32>
    %div3A = arith.constant 1.000000e+04 : f32
    %div3A_26 = vector.broadcast %div3A : f32 to vector<1x128xf32>
    %div3A_27 = arith.divf %broadcast_in_dim3A, %div3A_26 : vector<1x128xf32>
    %sub3A = vector.broadcast %div3A_27 : vector<1x128xf32> to vector<10000x128xf32>
    %sub3A_28 = arith.subf %max3A_24, %sub3A : vector<10000x128xf32>
    %mul3A = arith.mulf %sub3A_28, %sub3A_28 : vector<10000x128xf32>
    %reduce_sum3A_29 = arith.constant dense<0.000000e+00> : vector<128xf32>
    %reduce_sum3A_30 = vector.multi_reduction <add>, %mul3A, %reduce_sum3A_29 [0] : vector<10000x128xf32> to vector<128xf32>
    %broadcast_in_dim3A_31 = vector.shape_cast %reduce_sum3A_30 : vector<128xf32> to vector<1x128xf32>
    %div3A_32 = arith.constant 1.000000e+04 : f32
    %div3A_33 = vector.broadcast %div3A_32 : f32 to vector<1x128xf32>
    %div3A_34 = arith.divf %broadcast_in_dim3A_31, %div3A_33 : vector<1x128xf32>
    %add3A_35 = arith.constant 9.99999974E-6 : f32
    %add3A_36 = vector.broadcast %add3A_35 : f32 to vector<1x128xf32>
    %add3A_37 = arith.addf %div3A_34, %add3A_36 : vector<1x128xf32>
    %rsqrt3A = math.rsqrt %add3A_37 : vector<1x128xf32>
    %get3A_38 = arith.constant 0 : index
    %get3A_39 = arith.constant 0 : index
    %get3A_40 = vector.load %arg5[%get3A_38, %get3A_39] : memref<1x128xf32, #tpu.memory_space<vmem>>, vector<1x128xf32>
    %mul3A_41 = arith.mulf %rsqrt3A, %get3A_40 : vector<1x128xf32>
    %mul3A_42 = vector.broadcast %mul3A_41 : vector<1x128xf32> to vector<10000x128xf32>
    %mul3A_43 = arith.mulf %sub3A_28, %mul3A_42 : vector<10000x128xf32>
    %get3A_44 = arith.constant 0 : index
    %get3A_45 = arith.constant 0 : index
    %get3A_46 = vector.load %arg6[%get3A_44, %get3A_45] : memref<1x128xf32, #tpu.memory_space<vmem>>, vector<1x128xf32>
    %add3A_47 = vector.broadcast %get3A_46 : vector<1x128xf32> to vector<10000x128xf32>
    %add3A_48 = arith.addf %mul3A_43, %add3A_47 : vector<10000x128xf32>
    %get3A_49 = arith.constant 0 : index
    %get3A_50 = arith.constant 0 : index
    %get3A_51 = vector.load %arg7[%get3A_49, %get3A_50] : memref<128x128xf32, #tpu.memory_space<vmem>>, vector<128x128xf32>
    %dot_general3A_52 = arith.constant dense<0.000000e+00> : vector<10000x128xf32>
    %dot_general3A_53 = tpu.matmul %add3A_48, %get3A_51, %dot_general3A_52 {dimension_numbers = #tpu.dot_dimension_numbers<[1], [0], [0], [1], [0, 0, 1, 1], [], []>, transpose_lhs_hint = false} : vector<10000x128xf32>, vector<128x128xf32>, vector<10000x128xf32> -> vector<10000x128xf32>
    %get3A_54 = arith.constant 0 : index
    %get3A_55 = arith.constant 0 : index
    %get3A_56 = vector.load %arg8[%get3A_54, %get3A_55] : memref<1x128xf32, #tpu.memory_space<vmem>>, vector<1x128xf32>
    %add3A_57 = vector.broadcast %get3A_56 : vector<1x128xf32> to vector<10000x128xf32>
    %add3A_58 = arith.addf %dot_general3A_53, %add3A_57 : vector<10000x128xf32>
    %swap3A = arith.constant 0 : index
    %swap3A_59 = arith.constant 0 : index
    %swap3A_60 = vector.load %arg9[%swap3A, %swap3A_59] : memref<10000x128xf32, #tpu.memory_space<vmem>>, vector<10000x128xf32>
    tpu.vector_store %arg9[%swap3A, %swap3A_59], %add3A_58 {strides = array<i32>} : memref<10000x128xf32, #tpu.memory_space<vmem>>, vector<10000x128xf32>,
    return
  }
}

</mosaic_0001>

<sc_bundles>
// kernel: sc_edge_segment_sum.3.cloned.1.call-start
scs
__scs_entry_jumppad:
0x0: {  	(pc) =	sbr.rel $0x88, $3  }
0x1: {  	(tag) =	ssettag $0x0;
	lr =	simm.s32 $0x1  }
0x2: {  	[smem:$0x3F99] =	sst lr;
	_ =	strace $0xD0000000  }
0x3: {  	_ = 	snop  }
0x4: {  	_ = 	snop  }
0x5: {  	_ = 	snop  }
0x6: {  	_ = 	snop  }
0x7: {  	_ = 	snop  }
__scs_overlays_trampoline_lowered:
0x8: {  	[smem:$0x3FA8] =	sst s0  }
0x9: {  	[smem:$0x3FA9] =	sst s1  }
0xa: {  	[smem:$0x3FAA] =	sst s2  }
0xb: {  	[smem:$0x3FAB] =	sst s3  }
0xc: {  	[smem:$0x3FAC] =	sst s4  }
0xd: {  	[smem:$0x3FAD] =	sst s5  }
0xe: {  	[smem:$0x3FAE] =	sst s6  }
0xf: {  	[smem:$0x3FAF] =	sst s7  }
0x10: {  	[smem:$0x3FB0] =	sst s8  }
0x11: {  	[smem:$0x3FB1] =	sst s9;
	s0 =	simm.s32 @!p0 $0x0  }
0x12: {  	s1 =	sld [smem:$0x3F97];
	s0 =	simm.s32 @p0 $0x1  }
0x13: {  	[smem:$0x3FB2] =	sst s0;
	s0 =	simm.s32 @!p1 $0x0  }
0x14: {  	s2 =	sld [smem:$0x3F96];
	s0 =	simm.s32 @p1 $0x1  }
0x15: {  	[smem:$0x3FB3] =	sst s0;
	s0 =	simm.s32 @!p2 $0x0  }
0x16: {  	s3 =	sld [smem:$0x3FDB];
	s0 =	simm.s32 @p2 $0x1  }
0x17: {  	s4 =	simm.s32 $0x1BF5;
	[smem:$0x3FB5] =	sst s0  }
0x18: {  	s0 =	sld [smem:$0x3F98];
	_ =	swait.ge [sflag:s4], $0x0  }
0x19: {  	s7 =	sld [smem:$0x3F99]  }
0x1a: {  	s8 =	sadd.s32 $0xFFFFE003, lr  }
0x1b: {  	s9 =	sadd.s32 $0xFFFFFEF7, lr;
	s5 =	simm.s32 $0xFFFFFFFF;
	p2 =	slt.u32 s8, $0xFFFFF086  }
0x1c: {  	p1 =	slt.u32 s9, $0xF7A;
	s5 =	simm.s32 @!p2 $0x0  }
0x1d: {  	s5 =	simm.s32 @p1 $0x1;
	p0 =	seq.s32 s7, s2  }
0x1e: {  	s7 =	smul.u32 @!p0 $0xF7A, s2;
	p2 =	seq.s32 @!p0 s5, $0x0  }
0x1f: {  	s9 =	smul.u32 $0xF7A, s1;
	s8 =	simm.s32 @!p0 $0x1BF5;
	p2 =	por !p2, p0  }
0x20: {  	[sflag:s8] =	ssyncset.s32 @!p0 $0xFFFFF086;
	s6 =	sadd.s32 @!p0 s3, s7;
	s7 =	simm.s32 @!p0 $0x108  }
0x21: {  	s3 =	sadd.s32 s3, s9;
	s6 =	sadd.s32 @!p0 $0x88, s6;
	s7 =	simm.s32 @p2 $0x1082  }
0x22: {  	[simem:s7], [sflag:s8] =	dma.local @!p0 [hbm:s6], $0xF7A  }
0x23: {  	s9 =	sor.u32 $0xD0000000, s2;
	s6 =	simm.s32 $0x108;
	_ =	swait.ge @!p0 [sflag:s8], $0x0  }
0x24: {  	s3 =	sadd.s32 $0x88, s3;
	s6 =	simm.s32 @!p1 $0x1082;
	[sflag:s4] =	ssyncset.s32 $0xFFFFF086  }
0x25: {  	[simem:s6], [sflag:s4] =	dma.local [hbm:s3], $0xF7A  }
0x26: {  	[smem:$0x3F99] =	sst s1;
	(tag) =	ssettag s2;
	_ =	strace s9  }
0x27: {  	s1 =	sld [smem:$0x3FA9]  }
0x28: {  	s2 =	sld [smem:$0x3FAA]  }
0x29: {  	s4 =	sld [smem:$0x3FAC]  }
0x2a: {  	p0 =	seq.s32 s5, $0x0;
	s5 =	sld [smem:$0x3FAD]  }
0x2b: {  	s6 =	sld [smem:$0x3FAE]  }
0x2c: {  	s7 =	sld [smem:$0x3FAF]  }
0x2d: {  	s3 =	simm.s32 $0x108;
	s8 =	sld [smem:$0x3FB0]  }
0x2e: {  	s3 =	simm.s32 @!p0 $0x1082;
	s9 =	sld [smem:$0x3FB1]  }
0x2f: {  	lr =	sadd.s32 s0, s3;
	s0 =	sld [smem:$0x3FA8]  }
0x30: {  	s3 =	sld [smem:$0x3FAB]  }
0x31: {  	[smem:$0x3FB4] =	sst s10  }
0x32: {  	s10 =	sld [smem:$0x3FB2];
	_ =	sdelay $0x3  }
0x33: {  	p0 =	seq.s32 s10, $0x1;
	s10 =	sld [smem:$0x3FB4];
	_ =	sdelay $0x3  }
0x34: {  	[smem:$0x3FB4] =	sst s10  }
0x35: {  	s10 =	sld [smem:$0x3FB3];
	_ =	sdelay $0x3  }
0x36: {  	p1 =	seq.s32 s10, $0x1;
	s10 =	sld [smem:$0x3FB4];
	_ =	sdelay $0x3  }
0x37: {  	[smem:$0x3FB4] =	sst s10  }
0x38: {  	s10 =	sld [smem:$0x3FB5]  }
0x39: {  	_ = 	snop;
	(pc) =	sbr.ind lr, $3  }
0x3a: {  	_ = 	snop  }
0x3b: {  	_ = 	snop  }
0x3c: {  	p2 =	seq.s32 s10, $0x1;
	s10 =	sld [smem:$0x3FB4]  }
0x3d: {  	_ =	shalt  }
0x3e: {  	_ =	shalt  }
0x3f: {  	_ =	shalt  }
0x40: {  	_ =	shalt  }
0x41: {  	_ =	shalt  }
0x42: {  	_ =	shalt  }
0x43: {  	_ =	shalt  }
0x44: {  	_ =	shalt  }
0x45: {  	_ =	shalt  }
0x46: {  	_ =	shalt  }
0x47: {  	_ =	shalt  }
0x48: {  	_ =	shalt  }
0x49: {  	_ =	shalt  }
0x4a: {  	_ =	shalt  }
0x4b: {  	_ =	shalt  }
0x4c: {  	_ =	shalt  }
0x4d: {  	_ =	shalt  }
0x4e: {  	_ =	shalt  }
0x4f: {  	_ =	shalt  }
0x50: {  	_ =	shalt  }
0x51: {  	_ =	shalt  }
0x52: {  	_ =	shalt  }
0x53: {  	_ =	shalt  }
0x54: {  	_ =	shalt  }
0x55: {  	_ =	shalt  }
0x56: {  	_ =	shalt  }
0x57: {  	_ =	shalt  }
0x58: {  	_ =	shalt  }
0x59: {  	_ =	shalt  }
0x5a: {  	_ =	shalt  }
0x5b: {  	_ =	shalt  }
0x5c: {  	_ =	shalt  }
0x5d: {  	_ =	shalt  }
0x5e: {  	_ =	shalt  }
0x5f: {  	_ =	shalt  }
0x60: {  	_ =	shalt  }
0x61: {  	_ =	shalt  }
0x62: {  	_ =	shalt  }
0x63: {  	_ =	shalt  }
0x64: {  	_ =	shalt  }
0x65: {  	_ =	shalt  }
0x66: {  	_ =	shalt  }
0x67: {  	_ =	shalt  }
0x68: {  	_ =	shalt  }
0x69: {  	_ =	shalt  }
0x6a: {  	_ =	shalt  }
0x6b: {  	_ =	shalt  }
0x6c: {  	_ =	shalt  }
0x6d: {  	_ =	shalt  }
0x6e: {  	_ =	shalt  }
0x6f: {  	_ =	shalt  }
0x70: {  	_ =	shalt  }
0x71: {  	_ =	shalt  }
0x72: {  	_ =	shalt  }
0x73: {  	_ =	shalt  }
0x74: {  	_ =	shalt  }
0x75: {  	_ =	shalt  }
0x76: {  	_ =	shalt  }
0x77: {  	_ =	shalt  }
0x78: {  	_ =	shalt  }
0x79: {  	_ =	shalt  }
0x7a: {  	_ =	shalt  }
0x7b: {  	_ =	shalt  }
0x7c: {  	_ =	shalt  }
0x7d: {  	_ =	shalt  }
0x7e: {  	_ =	shalt  }
0x7f: {  	_ =	shalt  }
0x80: {  	_ =	shalt  }
0x81: {  	_ =	shalt  }
0x82: {  	_ =	shalt  }
0x83: {  	_ =	shalt  }
0x84: {  	_ =	shalt  }
0x85: {  	_ =	shalt  }
0x86: {  	_ =	shalt  }
0x87: {  	_ =	shalt  }
.Lfunc_end0:
.L_simem_size_0:
called_computation_lowered:
.L_overlay_start_0:
0x88: {  	s2 =	sld [smem:$0x3FD9]  }
0x89: {  	s3 =	sld [smem:$0x3FFE];
	_ =	sdelay $0x1  }
0x8a: {  	s1 =	srdreg.scid  }
0x8b: {  	s0 =	sand.u32 $0x1, s1  }
0x8c: {  	s17 =	sshll.u32 s0, $0xA;
	s2 =	sadd.s32 s3, s2  }
0x8d: {  	s2 =	sadd.s32 s2, s17  }
0x8e: {  	[smem:$0x3FC0] =	sst s2  }
0x8f: {  	_ = 	snop  }
0x90: {  	s2 =	sld [smem:$0x3FC9]  }
0x91: {  	s18 =	sld [smem:$0x3FD0];
	(tm) =	ssettm $0x1  }
0x92: {  	s4 =	sld [smem:$0x3FFB];
	_ =	sdelay $0x3  }
0x93: {  	_ =	strace s4  }
0x94: {  	s4 =	sld [smem:$0x3FFC];
	_ =	sdelay $0x3  }
0x95: {  	_ =	strace s4  }
0x96: {  	s4 =	sld [smem:$0x3FFD];
	_ =	sdelay $0x3  }
0x97: {  	_ =	strace s4  }
0x98: {  	_ =	strace $0x8FFFFFFF  }
0x99: {  	s19 =	sld [smem:$0x3FDB];
	_ =	sdelay $0x1  }
0x9a: {  	s5 =	simm.s32 $_scs_section_size  }
0x9b: {  	s6 =	simm.s32 $_size__tile_overlayer_lowered;
	s7 =	simm.s32 $_tile_overlayer_lowered  }
0x9c: {  	s22 =	simm.s32 $0x1BFF;
	s21 =	sshll.u32 s7, $0x1;
	s4 =	sadd.s32 s5, s19  }
0x9d: {  	s8 =	simm.s32 $0x0;
	s20 =	sshll.u32 s6, $0x1;
	s6 =	sadd.s32 s21, s4  }
0x9e: {  	[timem:s8], [sflag:s22] =	dma.local [hbm:s6], s20  }
0x9f: {  	_ =	swait.ge [sflag:s22], s20  }
0xa0: {  	s5 =	ssub.s32 $0x0, s20;
	[sflag:s22] =	ssyncset.done $0x0  }
0xa1: {  	[sflag:s22] =	ssyncadd.s32 s5;
	_ =	sdelay $0x1  }
0xa2: {  	s23 =	simm.s32 $0x1B8B  }
0xa3: {  	_ =	swait.ge [sflag:s23], $0x1  }
0xa4: {  	[sflag:s23] =	ssyncset.done $0x0  }
0xa5: {  	s25 =	simm.s32 $0x1B8E;
	s24 =	sld [smem:$0x3FFE];
	[sflag:s23] =	ssyncadd.s32 $0xFFFFFFFF  }
0xa6: {  	s26 =	simm.s32 $execute0_lowered;
	[smem:$0x3FD2] =	sst s25  }
0xa7: {  	s6 =	sshll.u32 s26, $0x1;
	_ =	strace $0x80000046;
	[dreg:$0x1] =	wrdreg $0xFFFFFFFF  }
0xa8: {  	s28 =	simm.s32 $_size_execute0_lowered;
	s4 =	sadd.s32 s4, s6;
	[dreg:$0x0] =	wrdreg $0x0  }
0xa9: {  	s6 =	sshll.u32 s28, $0x1;
	[dreg:$0x2] =	wrdreg s4  }
0xaa: {  	[dreg:$0x3] =	wrdreg s6  }
0xab: {  	[dreg:$0x4] =	wrdreg $0xC0  }
0xac: {  	_ =	task [dreg:s8], $0x5FFFF  }
0xad: {  	[dreg:$0x1] =	wrdreg $0xFFFFFFFF  }
0xae: {  	[dreg:$0x0] =	wrdreg $0x60  }
0xaf: {  	[dreg:$0x2] =	wrdreg s18  }
0xb0: {  	[dreg:$0x3] =	wrdreg s2  }
0xb1: {  	[dreg:$0x4] =	wrdreg s24  }
0xb2: {  	[dreg:$0x5] =	wrdreg $0xA8000  }
0xb3: {  	[dreg:$0x6] =	wrdreg $0x9  }
0xb4: {  	_ =	task.clear_ibuf [dreg:s8], $0x7FFFF;
	_ =	strace $0x90000046  }
0xb5: {  	s29 =	simm.s32 $0x9;
	_ =	strace $0x80000048  }
0xb6: {  	_ =	swait.ge [sflag:s29], $0x1  }
0xb7: {  	[sflag:s29] =	ssyncadd.s32 $0xFFFFFFFF  }
0xb8: {  	_ =	strace $0x90000048  }
0xb9: {  	_ =	sfence  }
0xba: {  	s30 =	sld [smem:$0x0];
	_ =	sdelay $0x2  }
0xbb: {  	s31 =	sshll.u32 s1, $0xD;
	s1 =	sshrl.u32 s1, $0x2  }
0xbc: {  	s3 =	sand.u32 $0x4000, s31;
	s1 =	sadd.s32 s1, s30  }
0xbd: {  	s0 =	sor.u32 s3, s0;
	s1 =	sshll.u32 s1, $0x11  }
0xbe: {  	s0 =	sor.u32 s1, s0  }
0xbf: {  	s0 =	sadd.s32 $0x8F2B, s0  }
0xc0: {  	[sflag:s0] =	ssyncadd.remote.s32 $0x1  }
0xc1: {  	_ =	sfence.sel $0xFFFF  }
0xc2: {  	[dreg:$0x0] =	wrdreg $0xFFFFFFFF;
	(pc) =	sbr.abs _section_cstart, $3  }
0xc3: {  	[dreg:$0x1] =	wrdreg $0xFFFFFFFF  }
0xc4: {  	_ =	task.clear_ibuf [dreg:s8], $0x2FFFF;
	_ =	strace $0x9FFFFFFF  }
0xc5: {  	(tm) =	ssettm $0x7FFFFFFF  }
tec
execute0_lowered:
.L_overlay_start_1:
0x0: {  	(tag) =	ssettag $0x1  }
0x1: {  	s13 =	rddreg [dreg:$0x0]  }
0x2: {  	s1 =	rddreg [dreg:$0x1]  }
0x3: {  	s5 =	rddreg [dreg:$0x2];
	s2 =	srdreg.scid  }
0x4: {  	s0 =	stileid.u32;
	s3 =	rddreg [dreg:$0x3]  }
0x5: {  	s4 =	simm.s32 $0x0;
	s19 =	simm.s32 $0x2800;
	s20 =	simm.s32 $0x3  }
0x6: {  	s21 =	simm.s32 $0x1400;
	s22 =	simm.s32 $0x7D;
	s23 =	simm.s32 $0x6800  }
0x7: {  	s24 =	simm.s32 $0x1;
	s28 =	simm.s32 $0x2700;
	s7 =	smul.u32 $0x2800, s0  }
0x8: {  	s29 =	simm.s32 $0x2780;
	s6 =	sand.u32 $0x1, s2;
	s25 =	smul.u32 $0x50000, s0  }
0x9: {  	[smem:$0x7FF] =	sst s4;
	s8 =	smul.u32 $0x28000, s6;
	s26 =	ssub.s32 $0x2, s6  }
0xa: {  	_ =	strace $0x80000047;
	s6 =	sshll.u32 s6, $0x4;
	s30 =	sshrl.u32 s26, $0x1  }
0xb: {  	s6 =	sor.u32 s0, s6;
	s7 =	sadd.s32 s7, s8;
	s8 =	sshrl.u32 s25, $0x2  }
0xc: {  	s18 =	ssub.s32 s26, s30;
	s11 =	smul.u32 $0x2800, s6;
	s25 =	simm.s32 $0x2  }
0xd: {  	s26 =	simm.s32 $0x1380;
	s17 =	sadd.s32 s7, s5;
	s5 =	sadd.s32 s8, s3  }
0xe: {  	s18 =	smax.u32 s18, $0x1;
	s31 =	sadd.s32 $0x2800, s5;
	s7 =	sadd.s32 $0x5000, s5  }
0xf: {  	s8 =	sadd.s32 $0x7800, s5;
	s9 =	sadd.s32 $0xA000, s5;
	s10 =	sadd.s32 $0xC800, s5  }
0x10: {  	s14 =	sshrl.u32 s11, $0x3;
	s11 =	sadd.s32 $0xF000, s5;
	s12 =	sadd.s32 $0x11800, s5  }
0x11: {  	s17 =	sadd.s32 $0x1C00, s17;
	[dreg:$0x5] =	wrdreg s31;
	s13 =	sadd.s32 s13, s14  }
0x12: {  	v0 =	vimm.f32 $0.0e+00;
	s14 =	sadd.s32 $0xA000, s13;
	s15 =	sadd.s32 $0x280, s13;
	s16 =	sadd.s32 $0xA280, s13  }
.LBB2_1:
0x13: {  	s30 =	simm.s32 $0x0;
	s31 =	simm.s32 $0x200  }
.LBB2_2:
0x14: {  	p0 =	sne.s32 s31, $0x9E00;
	[tilespmem:s30+$0x2870] =	vst v0  }
0x15: {  	[tilespmem:s30+$0x2800] =	vst v0  }
0x16: {  	[tilespmem:s30+$0x2810] =	vst v0  }
.Ltmp0:
0x17: {  	[tilespmem:s30+$0x2820] =	vst v0;
	(pc) =	sbr.rel @p0 .LBB2_2-.Ltmp0, $4  }
0x18: {  	[tilespmem:s30+$0x2830] =	vst v0  }
0x19: {  	[tilespmem:s30+$0x2840] =	vst v0  }
0x1a: {  	[tilespmem:s30+$0x2850] =	vst v0  }
0x1b: {  	[tilespmem:s30+$0x2860] =	vst v0;
	s30 =	sshra.s32 s31, $0x2;
	s31 =	sadd.s32 $0x200, s31  }
0x1c: {  	[tilespmem:s30+$0x2870] =	vst v0  }
0x1d: {  	[tilespmem:s30+$0x2800] =	vst v0  }
0x1e: {  	[tilespmem:s30+$0x2810] =	vst v0  }
0x1f: {  	[tilespmem:s30+$0x2820] =	vst v0  }
0x20: {  	[tilespmem:s30+$0x2830] =	vst v0  }
0x21: {  	[tilespmem:s30+$0x2840] =	vst v0  }
0x22: {  	[tilespmem:s30+$0x2850] =	vst v0  }
0x23: {  	[tilespmem:s30+$0x2860] =	vst v0  }
0x24: {  	[spmem:s5] =	stream.linear.scatter [tilespmem:s19], [sflag:$0x3], $0x2800, $0x38;
	[tilespmem:$0x1E800] =	vst v63  }
0x25: {  	_ =	swait.ge [sflag:s20], $0x2800  }
0x26: {  	[sflag:s20] =	ssyncset.done $0x0  }
0x27: {  	s0 =	rddreg [dreg:$0x5];
	[sflag:s20] =	ssyncadd.s32 $0xFFFFD800  }
0x28: {  	[spmem:s0] =	stream.linear.scatter [tilespmem:s19], [sflag:$0x3], $0x2800, $0x38;
	[tilespmem:$0x1E800] =	vst v63  }
0x29: {  	_ =	swait.ge [sflag:s20], $0x2800  }
0x2a: {  	[sflag:s20] =	ssyncset.done $0x0  }
0x2b: {  	[sflag:s20] =	ssyncadd.s32 $0xFFFFD800  }
0x2c: {  	[spmem:s7] =	stream.linear.scatter [tilespmem:s19], [sflag:$0x3], $0x2800, $0x38;
	[tilespmem:$0x1E800] =	vst v63  }
0x2d: {  	_ =	swait.ge [sflag:s20], $0x2800  }
0x2e: {  	[sflag:s20] =	ssyncset.done $0x0  }
0x2f: {  	[sflag:s20] =	ssyncadd.s32 $0xFFFFD800  }
0x30: {  	[spmem:s8] =	stream.linear.scatter [tilespmem:s19], [sflag:$0x3], $0x2800, $0x38;
	[tilespmem:$0x1E800] =	vst v63  }
0x31: {  	_ =	swait.ge [sflag:s20], $0x2800  }
0x32: {  	[sflag:s20] =	ssyncset.done $0x0  }
0x33: {  	[sflag:s20] =	ssyncadd.s32 $0xFFFFD800  }
0x34: {  	[spmem:s9] =	stream.linear.scatter [tilespmem:s19], [sflag:$0x3], $0x2800, $0x38;
	[tilespmem:$0x1E800] =	vst v63  }
0x35: {  	_ =	swait.ge [sflag:s20], $0x2800  }
0x36: {  	[sflag:s20] =	ssyncset.done $0x0  }
0x37: {  	[sflag:s20] =	ssyncadd.s32 $0xFFFFD800  }
0x38: {  	[spmem:s10] =	stream.linear.scatter [tilespmem:s19], [sflag:$0x3], $0x2800, $0x38;
	[tilespmem:$0x1E800] =	vst v63  }
0x39: {  	_ =	swait.ge [sflag:s20], $0x2800  }
0x3a: {  	[sflag:s20] =	ssyncset.done $0x0  }
0x3b: {  	[sflag:s20] =	ssyncadd.s32 $0xFFFFD800  }
0x3c: {  	[spmem:s11] =	stream.linear.scatter [tilespmem:s19], [sflag:$0x3], $0x2800, $0x38;
	[tilespmem:$0x1E800] =	vst v63  }
0x3d: {  	_ =	swait.ge [sflag:s20], $0x2800  }
0x3e: {  	[sflag:s20] =	ssyncset.done $0x0  }
0x3f: {  	[sflag:s20] =	ssyncadd.s32 $0xFFFFD800  }
0x40: {  	[spmem:s12] =	stream.linear.scatter [tilespmem:s19], [sflag:$0x3], $0x2800, $0x38;
	[tilespmem:$0x1E800] =	vst v63  }
0x41: {  	_ =	swait.ge [sflag:s20], $0x2800  }
0x42: {  	[sflag:s20] =	ssyncset.done $0x0  }
0x43: {  	[sflag:s20] =	ssyncadd.s32 $0xFFFFD800  }
0x44: {  	s30 =	simm.s32 $0x0;
	[bflag:$0x0] =	sbarrier.arrive $0xFFFF  }
0x45: {  	[tilespmem:s30], [sflag:$0x3] =	stream.linear.gather [hbm4b:s13+s30], $0x1400, $0x38;
	[tilespmem:$0x1E800] =	vst v63  }
0x46: {  	_ =	swait.ge [sflag:s20], $0x1400  }
0x47: {  	[sflag:s20] =	ssyncset.done $0x0  }
0x48: {  	[sflag:s20] =	ssyncadd.s32 $0xFFFFEC00  }
0x49: {  	[tilespmem:s21], [sflag:$0x3] =	stream.linear.gather [hbm4b:s14+s30], $0x1400, $0x38;
	[tilespmem:$0x1E800] =	vst v63  }
0x4a: {  	_ =	swait.ge [sflag:s20], $0x1400  }
0x4b: {  	[sflag:s20] =	ssyncset.done $0x0  }
0x4c: {  	[sflag:s20] =	ssyncadd.s32 $0xFFFFEC00  }
0x4d: {  	[tilespmem:s19], [sflag:$0x1] =	stream.indirect.gather [hbm4b:s1+s22], $0x80, s30, s22, $0xb8;
	[tilespmem:$0x1E800] =	vst v63  }
0x4e: {  	s30 =	simm.s32 $0x80  }
0x4f: {  	[tilespmem:s23], [sflag:$0x2] =	stream.indirect.gather [hbm4b:s1+s22], $0x80, s30, s22, $0xb8;
	[tilespmem:$0x1E800] =	vst v63  }
0x50: {  	_ =	swait.ge [sflag:s24], $0x3E80  }
0x51: {  	[sflag:s24] =	ssyncset.done $0x0  }
0x52: {  	s30 =	simm.s32 $0x1400;
	[sflag:s24] =	ssyncadd.s32 $0xFFFFC180  }
0x53: {  	[spmem:s3] =	stream.indirect.scatter.add.f32 [tilespmem:s19], [sflag:$0x3], $0x80, s30, s22, $0xb8;
	[tilespmem:$0x1E800] =	vst v63  }
0x54: {  	_ =	swait.ge [sflag:s20], $0x3E80  }
0x55: {  	[sflag:s20] =	ssyncset.done $0x0  }
0x56: {  	s30 =	simm.s32 $0x100;
	[sflag:s20] =	ssyncadd.s32 $0xFFFFC180  }
0x57: {  	[tilespmem:s19], [sflag:$0x1] =	stream.indirect.gather [hbm4b:s1+s22], $0x80, s30, s22, $0xb8;
	[tilespmem:$0x1E800] =	vst v63  }
0x58: {  	_ =	swait.ge [sflag:s25], $0x3E80  }
0x59: {  	[sflag:s25] =	ssyncset.done $0x0  }
0x5a: {  	s30 =	simm.s32 $0x1480;
	[sflag:s25] =	ssyncadd.s32 $0xFFFFC180  }
0x5b: {  	[spmem:s3] =	stream.indirect.scatter.add.f32 [tilespmem:s23], [sflag:$0x3], $0x80, s30, s22, $0xb8;
	[tilespmem:$0x1E800] =	vst v63  }
0x5c: {  	_ =	swait.ge [sflag:s20], $0x3E80  }
0x5d: {  	s31 =	simm.s32 $0x800;
	s30 =	simm.s32 $0x100;
	[sflag:s20] =	ssyncset.done $0x0  }
.LBB2_4:
0x5e: {  	s2 =	sadd.s32 $0x80, s30  }
0x5f: {  	[sflag:s20] =	ssyncadd.s32 $0xFFFFC180;
	s0 =	smov.u32 s31;
	s6 =	sadd.s32 $0x400, s31  }
0x60: {  	[tilespmem:s23], [sflag:$0x2] =	stream.indirect.gather [hbm4b:s1+s22], $0x80, s2, s22, $0xb8;
	[tilespmem:$0x1E800] =	vst v63  }
0x61: {  	p0 =	sne.s32 s31, $0x4800;
	_ =	swait.ge [sflag:s24], $0x3E80  }
0x62: {  	[sflag:s24] =	ssyncset.done $0x0  }
0x63: {  	s2 =	sadd.s32 $0x1400, s30;
	[sflag:s24] =	ssyncadd.s32 $0xFFFFC180  }
0x64: {  	[spmem:s3] =	stream.indirect.scatter.add.f32 [tilespmem:s19], [sflag:$0x3], $0x80, s2, s22, $0xb8;
	[tilespmem:$0x1E800] =	vst v63  }
0x65: {  	_ =	swait.ge [sflag:s20], $0x3E80  }
0x66: {  	[sflag:s20] =	ssyncset.done $0x0  }
0x67: {  	s2 =	sadd.s32 $0x100, s30;
	[sflag:s20] =	ssyncadd.s32 $0xFFFFC180  }
0x68: {  	[tilespmem:s19], [sflag:$0x1] =	stream.indirect.gather [hbm4b:s1+s22], $0x80, s2, s22, $0xb8;
	[tilespmem:$0x1E800] =	vst v63  }
0x69: {  	_ =	swait.ge [sflag:s25], $0x3E80  }
.Ltmp1:
0x6a: {  	[sflag:s25] =	ssyncset.done $0x0;
	(pc) =	sbr.rel @p0 .LBB2_4-.Ltmp1, $4  }
0x6b: {  	s2 =	sadd.s32 $0x1480, s30;
	[sflag:s25] =	ssyncadd.s32 $0xFFFFC180  }
0x6c: {  	[spmem:s3] =	stream.indirect.scatter.add.f32 [tilespmem:s23], [sflag:$0x3], $0x80, s2, s22, $0xb8;
	[tilespmem:$0x1E800] =	vst v63  }
0x6d: {  	_ =	swait.ge [sflag:s20], $0x3E80  }
0x6e: {  	s31 =	smov.u32 s6;
	s30 =	sshra.s32 s0, $0x2;
	[sflag:s20] =	ssyncset.done $0x0  }
0x6f: {  	s0 =	sadd.s32 $0x80, s30;
	[sflag:s20] =	ssyncadd.s32 $0xFFFFC180  }
0x70: {  	[tilespmem:s23], [sflag:$0x2] =	stream.indirect.gather [hbm4b:s1+s22], $0x80, s0, s22, $0xb8;
	[tilespmem:$0x1E800] =	vst v63  }
0x71: {  	_ =	swait.ge [sflag:s24], $0x3E80  }
0x72: {  	[sflag:s24] =	ssyncset.done $0x0  }
0x73: {  	s2 =	sadd.s32 $0x1400, s30;
	[sflag:s24] =	ssyncadd.s32 $0xFFFFC180  }
0x74: {  	[spmem:s3] =	stream.indirect.scatter.add.f32 [tilespmem:s19], [sflag:$0x3], $0x80, s2, s22, $0xb8;
	[tilespmem:$0x1E800] =	vst v63  }
0x75: {  	_ =	swait.ge [sflag:s20], $0x3E80  }
0x76: {  	[sflag:s20] =	ssyncset.done $0x0  }
0x77: {  	s6 =	sadd.s32 $0x100, s30;
	[sflag:s20] =	ssyncadd.s32 $0xFFFFC180  }
0x78: {  	[tilespmem:s19], [sflag:$0x1] =	stream.indirect.gather [hbm4b:s1+s22], $0x80, s6, s22, $0xb8;
	[tilespmem:$0x1E800] =	vst v63  }
0x79: {  	_ =	swait.ge [sflag:s25], $0x3E80  }
0x7a: {  	[sflag:s25] =	ssyncset.done $0x0  }
0x7b: {  	s2 =	sadd.s32 $0x1480, s30;
	[sflag:s25] =	ssyncadd.s32 $0xFFFFC180  }
0x7c: {  	[spmem:s3] =	stream.indirect.scatter.add.f32 [tilespmem:s23], [sflag:$0x3], $0x80, s2, s22, $0xb8;
	[tilespmem:$0x1E800] =	vst v63  }
0x7d: {  	_ =	swait.ge [sflag:s20], $0x3E80  }
0x7e: {  	[sflag:s20] =	ssyncset.done $0x0  }
0x7f: {  	[sflag:s20] =	ssyncadd.s32 $0xFFFFC180  }
0x80: {  	[tilespmem:s23], [sflag:$0x2] =	stream.indirect.gather [hbm4b:s1+s22], $0x80, s26, s22, $0xb8;
	[tilespmem:$0x1E800] =	vst v63  }
0x81: {  	_ =	swait.ge [sflag:s24], $0x3E80  }
0x82: {  	[sflag:s24] =	ssyncset.done $0x0  }
0x83: {  	[sflag:s24] =	ssyncadd.s32 $0xFFFFC180  }
0x84: {  	[spmem:s3] =	stream.indirect.scatter.add.f32 [tilespmem:s19], [sflag:$0x3], $0x80, s28, s22, $0xb8;
	[tilespmem:$0x1E800] =	vst v63  }
0x85: {  	_ =	swait.ge [sflag:s20], $0x3E80  }
0x86: {  	[sflag:s20] =	ssyncset.done $0x0  }
0x87: {  	[sflag:s20] =	ssyncadd.s32 $0xFFFFC180  }
0x88: {  	_ =	swait.ge [sflag:s25], $0x3E80  }
0x89: {  	[sflag:s25] =	ssyncset.done $0x0  }
0x8a: {  	[sflag:s25] =	ssyncadd.s32 $0xFFFFC180  }
0x8b: {  	[spmem:s3] =	stream.indirect.scatter.add.f32 [tilespmem:s23], [sflag:$0x3], $0x80, s29, s22, $0xb8;
	[tilespmem:$0x1E800] =	vst v63  }
0x8c: {  	_ =	swait.ge [sflag:s20], $0x3E80  }
0x8d: {  	[sflag:s20] =	ssyncset.done $0x0  }
0x8e: {  	s6 =	simm.s32 $0x0;
	[sflag:s20] =	ssyncadd.s32 $0xFFFFC180  }
0x8f: {  	[tilespmem:s6], [sflag:$0x3] =	stream.linear.gather [hbm4b:s15+s6], $0x1400, $0x38;
	[tilespmem:$0x1E800] =	vst v63  }
0x90: {  	_ =	swait.ge [sflag:s20], $0x1400  }
0x91: {  	[sflag:s20] =	ssyncset.done $0x0  }
0x92: {  	[sflag:s20] =	ssyncadd.s32 $0xFFFFEC00  }
0x93: {  	[tilespmem:s21], [sflag:$0x3] =	stream.linear.gather [hbm4b:s16+s6], $0x1400, $0x38;
	[tilespmem:$0x1E800] =	vst v63  }
0x94: {  	_ =	swait.ge [sflag:s20], $0x1400  }
0x95: {  	[sflag:s20] =	ssyncset.done $0x0  }
0x96: {  	[sflag:s20] =	ssyncadd.s32 $0xFFFFEC00  }
0x97: {  	[tilespmem:s19], [sflag:$0x1] =	stream.indirect.gather [hbm4b:s1+s22], $0x80, s6, s22, $0xb8;
	[tilespmem:$0x1E800] =	vst v63  }
0x98: {  	s2 =	simm.s32 $0x80  }
0x99: {  	[tilespmem:s23], [sflag:$0x2] =	stream.indirect.gather [hbm4b:s1+s22], $0x80, s2, s22, $0xb8;
	[tilespmem:$0x1E800] =	vst v63  }
0x9a: {  	_ =	swait.ge [sflag:s24], $0x3E80  }
0x9b: {  	[sflag:s24] =	ssyncset.done $0x0  }
0x9c: {  	s6 =	simm.s32 $0x1400;
	[sflag:s24] =	ssyncadd.s32 $0xFFFFC180  }
0x9d: {  	[spmem:s3] =	stream.indirect.scatter.add.f32 [tilespmem:s19], [sflag:$0x3], $0x80, s6, s22, $0xb8;
	[tilespmem:$0x1E800] =	vst v63  }
0x9e: {  	_ =	swait.ge [sflag:s20], $0x3E80  }
0x9f: {  	[sflag:s20] =	ssyncset.done $0x0  }
0xa0: {  	s2 =	simm.s32 $0x100;
	[sflag:s20] =	ssyncadd.s32 $0xFFFFC180  }
0xa1: {  	[tilespmem:s19], [sflag:$0x1] =	stream.indirect.gather [hbm4b:s1+s22], $0x80, s2, s22, $0xb8;
	[tilespmem:$0x1E800] =	vst v63  }
0xa2: {  	_ =	swait.ge [sflag:s25], $0x3E80  }
0xa3: {  	[sflag:s25] =	ssyncset.done $0x0  }
0xa4: {  	s6 =	simm.s32 $0x1480;
	[sflag:s25] =	ssyncadd.s32 $0xFFFFC180  }
0xa5: {  	[spmem:s3] =	stream.indirect.scatter.add.f32 [tilespmem:s23], [sflag:$0x3], $0x80, s6, s22, $0xb8;
	[tilespmem:$0x1E800] =	vst v63  }
0xa6: {  	_ =	swait.ge [sflag:s20], $0x3E80  }
0xa7: {  	s31 =	simm.s32 $0x800;
	s30 =	simm.s32 $0x100;
	[sflag:s20] =	ssyncset.done $0x0  }
.LBB2_6:
0xa8: {  	s0 =	sadd.s32 $0x80, s30  }
0xa9: {  	[sflag:s20] =	ssyncadd.s32 $0xFFFFC180;
	s2 =	smov.u32 s31;
	s6 =	sadd.s32 $0x400, s31  }
0xaa: {  	[tilespmem:s23], [sflag:$0x2] =	stream.indirect.gather [hbm4b:s1+s22], $0x80, s0, s22, $0xb8;
	[tilespmem:$0x1E800] =	vst v63  }
0xab: {  	p0 =	sne.s32 s31, $0x4800;
	_ =	swait.ge [sflag:s24], $0x3E80  }
0xac: {  	[sflag:s24] =	ssyncset.done $0x0  }
0xad: {  	s0 =	sadd.s32 $0x1400, s30;
	[sflag:s24] =	ssyncadd.s32 $0xFFFFC180  }
0xae: {  	[spmem:s3] =	stream.indirect.scatter.add.f32 [tilespmem:s19], [sflag:$0x3], $0x80, s0, s22, $0xb8;
	[tilespmem:$0x1E800] =	vst v63  }
0xaf: {  	_ =	swait.ge [sflag:s20], $0x3E80  }
0xb0: {  	[sflag:s20] =	ssyncset.done $0x0  }
0xb1: {  	s0 =	sadd.s32 $0x100, s30;
	[sflag:s20] =	ssyncadd.s32 $0xFFFFC180  }
0xb2: {  	[tilespmem:s19], [sflag:$0x1] =	stream.indirect.gather [hbm4b:s1+s22], $0x80, s0, s22, $0xb8;
	[tilespmem:$0x1E800] =	vst v63  }
0xb3: {  	_ =	swait.ge [sflag:s25], $0x3E80  }
.Ltmp2:
0xb4: {  	[sflag:s25] =	ssyncset.done $0x0;
	(pc) =	sbr.rel @p0 .LBB2_6-.Ltmp2, $4  }
0xb5: {  	s0 =	sadd.s32 $0x1480, s30;
	[sflag:s25] =	ssyncadd.s32 $0xFFFFC180  }
0xb6: {  	[spmem:s3] =	stream.indirect.scatter.add.f32 [tilespmem:s23], [sflag:$0x3], $0x80, s0, s22, $0xb8;
	[tilespmem:$0x1E800] =	vst v63  }
0xb7: {  	_ =	swait.ge [sflag:s20], $0x3E80  }
0xb8: {  	s31 =	smov.u32 s6;
	s30 =	sshra.s32 s2, $0x2;
	[sflag:s20] =	ssyncset.done $0x0  }
0xb9: {  	s0 =	sadd.s32 $0x80, s30;
	[sflag:s20] =	ssyncadd.s32 $0xFFFFC180  }
0xba: {  	[tilespmem:s23], [sflag:$0x2] =	stream.indirect.gather [hbm4b:s1+s22], $0x80, s0, s22, $0xb8;
	[tilespmem:$0x1E800] =	vst v63  }
0xbb: {  	_ =	swait.ge [sflag:s24], $0x3E80  }
0xbc: {  	[sflag:s24] =	ssyncset.done $0x0  }
0xbd: {  	s2 =	sadd.s32 $0x1400, s30;
	[sflag:s24] =	ssyncadd.s32 $0xFFFFC180  }
0xbe: {  	[spmem:s3] =	stream.indirect.scatter.add.f32 [tilespmem:s19], [sflag:$0x3], $0x80, s2, s22, $0xb8;
	[tilespmem:$0x1E800] =	vst v63  }
0xbf: {  	_ =	swait.ge [sflag:s20], $0x3E80  }
0xc0: {  	[sflag:s20] =	ssyncset.done $0x0  }
0xc1: {  	s6 =	sadd.s32 $0x100, s30;
	[sflag:s20] =	ssyncadd.s32 $0xFFFFC180  }
0xc2: {  	[tilespmem:s19], [sflag:$0x1] =	stream.indirect.gather [hbm4b:s1+s22], $0x80, s6, s22, $0xb8;
	[tilespmem:$0x1E800] =	vst v63  }
0xc3: {  	_ =	swait.ge [sflag:s25], $0x3E80  }
0xc4: {  	[sflag:s25] =	ssyncset.done $0x0  }
0xc5: {  	s30 =	sadd.s32 $0x1480, s30;
	[sflag:s25] =	ssyncadd.s32 $0xFFFFC180  }
0xc6: {  	[spmem:s3] =	stream.indirect.scatter.add.f32 [tilespmem:s23], [sflag:$0x3], $0x80, s30, s22, $0xb8;
	[tilespmem:$0x1E800] =	vst v63  }
0xc7: {  	_ =	swait.ge [sflag:s20], $0x3E80  }
0xc8: {  	[sflag:s20] =	ssyncset.done $0x0  }
0xc9: {  	[sflag:s20] =	ssyncadd.s32 $0xFFFFC180  }
0xca: {  	[tilespmem:s23], [sflag:$0x2] =	stream.indirect.gather [hbm4b:s1+s22], $0x80, s26, s22, $0xb8;
	[tilespmem:$0x1E800] =	vst v63  }
0xcb: {  	_ =	swait.ge [sflag:s24], $0x3E80  }
0xcc: {  	[sflag:s24] =	ssyncset.done $0x0  }
0xcd: {  	[sflag:s24] =	ssyncadd.s32 $0xFFFFC180  }
0xce: {  	[spmem:s3] =	stream.indirect.scatter.add.f32 [tilespmem:s19], [sflag:$0x3], $0x80, s28, s22, $0xb8;
	[tilespmem:$0x1E800] =	vst v63  }
0xcf: {  	_ =	swait.ge [sflag:s20], $0x3E80  }
0xd0: {  	[sflag:s20] =	ssyncset.done $0x0  }
0xd1: {  	[sflag:s20] =	ssyncadd.s32 $0xFFFFC180  }
0xd2: {  	_ =	swait.ge [sflag:s25], $0x3E80  }
0xd3: {  	[sflag:s25] =	ssyncset.done $0x0  }
0xd4: {  	[sflag:s25] =	ssyncadd.s32 $0xFFFFC180  }
0xd5: {  	[spmem:s3] =	stream.indirect.scatter.add.f32 [tilespmem:s23], [sflag:$0x3], $0x80, s29, s22, $0xb8;
	[tilespmem:$0x1E800] =	vst v63  }
0xd6: {  	s31 =	stileid.u32;
	_ =	swait.ge [sflag:s20], $0x3E80  }
0xd7: {  	s4 =	sadd.s32 $0x1, s4;
	s0 =	sshll.u32 s31, $0x6;
	[sflag:s20] =	ssyncset.done $0x0  }
0xd8: {  	p0 =	sne.s32 s4, s18;
	s0 =	sor.u32 $0x1C03, s0;
	[sflag:s20] =	ssyncadd.s32 $0xFFFFC180  }
.Ltmp3:
0xd9: {  	s2 =	sshrl.u32 s5, $0x3;
	[bflag:$0x0] =	sbarrier.arrive $0xFFFF;
	(pc) =	sbr.rel @p0 .LBB2_1-.Ltmp3, $4  }
0xda: {  	[hbm:s17], [sflag:s0] =	dma.local [spmem:s2], $0x2800  }
0xdb: {  	_ =	swait.ge [sflag:s20], $0x2800  }
0xdc: {  	[sflag:s20] =	ssyncset.done $0x0  }
0xdd: {  	[sflag:s20] =	ssyncadd.s32 $0xFFFFD800  }
0xde: {  	_ =	sfence.sel $0x180000  }
0xdf: {  	[bflag:$0x0] =	sbarrier.arrive $0xFFFF  }
0xe0: {  	_ =	strace $0x90000047  }
0xe1: {  	s0 =	stileid.u32;
	[bflag:$0x2] =	sbarrier.arrive $0xFFFF  }
0xe2: {  	p0 =	sne.s32 s0, $0x0;
	s0 =	rddreg [dreg:$0x4]  }
0xe3: {  	s0 =	sadd.s32 @!p0 $0x100000, s0  }
0xe4: {  	[sflag:s0] =	ssyncadd.tile.s32 @!p0 $0x1;
	_ =	shalt  }
.Lfunc_end2:
_tile_overlayer_lowered:
.L_overlay_start_2:
0xe5: {  	(tag) =	ssettag $0x2  }
0xe6: {  	s0 =	rddreg [dreg:$0x0];
	s2 =	stileid.u32  }
0xe7: {  	s1 =	rddreg [dreg:$0x1];
	p0 =	sne.s32 s2, $0x0  }
0xe8: {  	s3 =	rddreg [dreg:$0x2];
	[bflag:$0x3] =	sbarrier.arrive $0xFFFF;
	s2 =	simm.s32 @!p0 $0x1C03  }
0xe9: {  	[timem:s3], [sflag:s2] =	dma.local @!p0 [hbm:s0], s1  }
0xea: {  	s0 =	simm.s32 @!p0 $0x3  }
0xeb: {  	_ =	swait.ge @!p0 [sflag:s0], s1  }
0xec: {  	s1 =	ssub.s32 @!p0 $0x0, s1;
	[sflag:s0] =	ssyncset.done @!p0 $0x0  }
0xed: {  	[sflag:s0] =	ssyncadd.s32 @!p0 s1  }
0xee: {  	[bflag:$0x3] =	sbarrier.arrive $0xFFFF  }
0xef: {  	_ =	shalt  }

</sc_bundles>
